<compile_context>
chip_gen: v7x
topology: tpu7x:2x2x1
jax: 0.10.2.dev20260603
libtpu: 0.0.44.dev20260713+nightly
codegen_flags: <defaults>
</compile_context>

<pallas_src>
import functools

import jax
import jax.numpy as jnp
from jax import lax
from jax.experimental import pallas as pl
from jax.experimental.pallas import tpu as pltpu
from jax.experimental.pallas import tpu_sc as plsc

N = 10000
NP = 10240
E = 320000
F_IN = 128
H = 64
G = 64

NC = 2
NS = 16
NW = NC * NS
C = 128
CPT = 79
EPAD = NW * CPT * C
RPT = NP // NS

_sc_mesh = plsc.VectorSubcoreMesh(core_axis_name="c", subcore_axis_name="s")


@functools.partial(
    pl.kernel,
    out_type=jax.ShapeDtypeStruct((NC, NP), jnp.float32),
    mesh=_sc_mesh,
    scratch_types=[
        pltpu.VMEM((CPT, C), jnp.int32),
        pltpu.VMEM((C,), jnp.float32),
        pltpu.VMEM((RPT,), jnp.float32),
        pltpu.VMEM_SHARED((NP,), jnp.float32),
    ],
    compiler_params=pltpu.CompilerParams(use_tc_tiling_on_sc=False),
)
def _deg_kernel(dst_hbm, out_hbm, dst_v, ones_v, zer_v, deg_sh):
    cid = lax.axis_index("c")
    sid = lax.axis_index("s")
    wid = cid * NS + sid
    pltpu.sync_copy(dst_hbm.at[wid], dst_v)
    for i in range(C // 16):
        ones_v[pl.ds(i * 16, 16)] = jnp.ones((16,), jnp.float32)

    def zbody(i, carry):
        zer_v[pl.ds(i * 16, 16)] = jnp.zeros((16,), jnp.float32)
        return carry

    lax.fori_loop(0, RPT // 16, zbody, 0)
    r0 = sid * RPT
    pltpu.sync_copy(zer_v, deg_sh.at[pl.ds(r0, RPT)])
    plsc.subcore_barrier()

    def body(j, carry):
        pltpu.sync_copy(ones_v, deg_sh.at[dst_v.at[j]], add=True)
        return carry

    lax.fori_loop(0, CPT, body, 0)
    plsc.subcore_barrier()
    pltpu.sync_copy(deg_sh.at[pl.ds(r0, RPT)], out_hbm.at[cid, pl.ds(r0, RPT)])


@functools.partial(
    pl.kernel,
    out_type=jax.ShapeDtypeStruct((NC, NP, H), jnp.float32),
    mesh=_sc_mesh,
    scratch_types=[
        pltpu.VMEM((CPT, C), jnp.int32),
        pltpu.VMEM((CPT, C), jnp.int32),
        pltpu.VMEM((C, H), jnp.float32),
        pltpu.VMEM((C, H), jnp.float32),
        pltpu.VMEM_SHARED((NP, H), jnp.float32),
        pltpu.SemaphoreType.DMA,
    ],
    compiler_params=pltpu.CompilerParams(use_tc_tiling_on_sc=False),
)
def _msg_kernel(g_hbm, src_hbm, dst_hbm, out_hbm,
                src_v, dst_v, rows_v, zer_v, acc_sh, sem):
    cid = lax.axis_index("c")
    sid = lax.axis_index("s")
    wid = cid * NS + sid
    pltpu.sync_copy(src_hbm.at[wid], src_v)
    pltpu.sync_copy(dst_hbm.at[wid], dst_v)

    def zbody(i, carry):
        def lanes(k, carry2):
            zer_v[i, pl.ds(k * 16, 16)] = jnp.zeros((16,), jnp.float32)
            return carry2
        return lax.fori_loop(0, H // 16, lanes, carry)

    lax.fori_loop(0, C, zbody, 0)
    r0 = sid * RPT
    for rep in range(RPT // C):
        pltpu.sync_copy(zer_v, acc_sh.at[pl.ds(r0 + rep * C, C)])
    plsc.subcore_barrier()

    def body(j, carry):
        pltpu.async_copy(g_hbm.at[src_v.at[j]], rows_v, sem).wait()
        pltpu.sync_copy(rows_v, acc_sh.at[dst_v.at[j]], add=True)
        return carry

    lax.fori_loop(0, CPT, body, 0)
    plsc.subcore_barrier()
    pltpu.sync_copy(acc_sh.at[pl.ds(r0, RPT)], out_hbm.at[cid, pl.ds(r0, RPT)])


def _dinv_of(degp_ref):
    deg = degp_ref[0] + degp_ref[1] + 1.0
    return lax.rsqrt(jnp.maximum(deg, 1.0))


def _tc_a_body(x_ref, w1_ref, degp_ref, g1_ref):
    h1 = jnp.dot(x_ref[...], w1_ref[...], preferred_element_type=jnp.float32)
    g1_ref[...] = h1 * _dinv_of(degp_ref)


_tc_a = pl.pallas_call(
    _tc_a_body,
    out_shape=jax.ShapeDtypeStruct((NP, H), jnp.float32),
)


def _tc_b_body(s1_ref, g1_ref, degp_ref, b1_ref, w2_ref, g2_ref):
    dinv = _dinv_of(degp_ref)
    z = dinv * (s1_ref[0] + s1_ref[1] + g1_ref[...]) + b1_ref[...]
    z = jnp.maximum(z, 0.0)
    g2_ref[...] = jnp.dot(z, w2_ref[...], preferred_element_type=jnp.float32) * dinv


_tc_b = pl.pallas_call(
    _tc_b_body,
    out_shape=jax.ShapeDtypeStruct((NP, H), jnp.float32),
)


def _tc_c_body(s2_ref, g2_ref, degp_ref, b2_ref, batch_ref, wl_ref, bl_ref,
               out_ref):
    dinv = _dinv_of(degp_ref)
    h2 = dinv * (s2_ref[0] + s2_ref[1] + g2_ref[...]) + b2_ref[...]
    seg = jnp.broadcast_to(batch_ref[...], (G, NP))
    oh = (seg == lax.broadcasted_iota(jnp.int32, (G, NP), 0)).astype(jnp.float32)
    ssum = jnp.dot(oh, h2, preferred_element_type=jnp.float32)
    cnt = jnp.sum(oh, axis=1, keepdims=True)
    pooled = ssum / jnp.maximum(cnt, 1.0)
    logits = jnp.dot(pooled, wl_ref[...], preferred_element_type=jnp.float32)
    logits = logits + bl_ref[...]
    m = jnp.max(logits, axis=1, keepdims=True)
    e = logits - m
    out_ref[...] = e - jnp.log(jnp.sum(jnp.exp(e), axis=1, keepdims=True))


_tc_c = pl.pallas_call(
    _tc_c_body,
    out_shape=jax.ShapeDtypeStruct((G, 2), jnp.float32),
)


def kernel(x, edge_index, batch, W1, b1, W2, b2, Wl, bl):
    src = edge_index[0].astype(jnp.int32)
    dst = edge_index[1].astype(jnp.int32)
    pad = EPAD - E
    src_p = jnp.concatenate([src, jnp.full((pad,), N, jnp.int32)])
    dst_p = jnp.concatenate([dst, jnp.full((pad,), N, jnp.int32)])
    src_p = src_p.reshape(NW, CPT, C)
    dst_p = dst_p.reshape(NW, CPT, C)

    degp = _deg_kernel(dst_p)
    degp3 = degp.reshape(NC, NP, 1)

    x_p = jnp.pad(x, ((0, NP - N), (0, 0)))
    g1 = _tc_a(x_p, W1, degp3)
    s1 = _msg_kernel(g1, src_p, dst_p)
    g2 = _tc_b(s1, g1, degp3, b1.reshape(1, H), W2)
    s2 = _msg_kernel(g2, src_p, dst_p)

    batch_p = jnp.concatenate(
        [batch.astype(jnp.int32), jnp.full((NP - N,), G, jnp.int32)]
    ).reshape(1, NP)
    out = _tc_c(s2, g2, degp3, b2.reshape(1, H), batch_p, Wl,
                bl.reshape(1, 2))
    return out

# --- scband reference (transcript-rebuilt; emitter-appended) ---
"""Pipeline reference for scband-pose-gcn-86431921865000 (READ-ONLY COPY).

The authoritative reference and input builder live on the scoring server;
editing this copy changes nothing except your own understanding.
"""

import jax, jax.numpy as jnp
import numpy as np

N = 10000
E = 320000
F_IN = 128
H = 64
G = 64  # number of graphs in the batch


def setup_inputs(seed: int = 0) -> dict:
    key = jax.random.key(seed)
    ks = jax.random.split(key, 10)
    x = jax.random.normal(ks[0], (N, F_IN), dtype=jnp.float32)
    edge_index = jax.random.randint(ks[1], (2, E), 0, N)
    batch = jnp.sort(jax.random.randint(ks[2], (N,), 0, G))
    # GCNConv 1: F_IN -> 64
    W1 = jax.random.normal(ks[3], (F_IN, H), dtype=jnp.float32) * (1.0 / np.sqrt(F_IN))
    b1 = jnp.zeros((H,), dtype=jnp.float32)
    # GCNConv 2: 64 -> 64
    W2 = jax.random.normal(ks[4], (H, H), dtype=jnp.float32) * (1.0 / np.sqrt(H))
    b2 = jnp.zeros((H,), dtype=jnp.float32)
    # final linear: 64 -> 2
    Wl = jax.random.normal(ks[5], (H, 2), dtype=jnp.float32) * (1.0 / np.sqrt(H))
    bl = jnp.zeros((2,), dtype=jnp.float32)
    return {"x": x, "edge_index": edge_index, "batch": batch,
            "W1": W1, "b1": b1, "W2": W2, "b2": b2, "Wl": Wl, "bl": bl}


def _gcn_conv(x, edge_index, W, b):
    # GCNConv: D^{-1/2} (A + I) D^{-1/2} X W + b
    src = edge_index[0]
    dst = edge_index[1]
    loop = jnp.arange(N)
    src = jnp.concatenate([src, loop])
    dst = jnp.concatenate([dst, loop])
    deg = jnp.zeros((N,), jnp.float32).at[dst].add(1.0)
    dinv = jax.lax.rsqrt(jnp.maximum(deg, 1.0))
    norm = dinv[src] * dinv[dst]
    h = x @ W
    msg = h[src] * norm[:, None]
    out = jnp.zeros((N, W.shape[1]), jnp.float32).at[dst].add(msg)
    return out + b


def reference(x, edge_index, batch, W1, b1, W2, b2, Wl, bl):
    h = _gcn_conv(x, edge_index, W1, b1)
    h = jax.nn.relu(h)
    # dropout(p=0.5) is identity at eval time (training=False)
    h = _gcn_conv(h, edge_index, W2, b2)
    # global_mean_pool over graphs
    s = jax.ops.segment_sum(h, batch, num_segments=G)
    cnt = jax.ops.segment_sum(jnp.ones((N, 1), jnp.float32), batch, num_segments=G)
    pooled = s / jnp.maximum(cnt, 1.0)
    out = pooled @ Wl + bl
    return jax.nn.log_softmax(out, axis=1)

if __name__ == "__main__":
    import jax
    _d = setup_inputs()
    print(jax.jit(kernel)(*tuple(_d.values())))

</pallas_src>

<mosaic_0001>
#map = affine_map<(d0, d1) -> (0, 0, 0)>
#map1 = affine_map<(d0, d1) -> (0, 0)>
module attributes {stable_mosaic.version = 14 : i64} {
  func.func @_deg_kernel(%arg0: i32, %arg1: i32, %arg2: memref<32x79x128xi32, #tpu.memory_space<hbm>>, %arg3: memref<2x10240xf32, #tpu.memory_space<hbm>>, %arg4: memref<79x128xi32, #tpu.memory_space<vmem>>, %arg5: memref<128xf32, #tpu.memory_space<vmem>>, %arg6: memref<640xf32, #tpu.memory_space<vmem>>, %arg7: memref<10240xf32, #tpu.memory_space<vmem_shared>>) attributes {dimension_semantics = [#tpu.dimension_semantics<core_parallel>, #tpu.dimension_semantics<subcore_parallel>], iteration_bounds = array<i64: 2, 16>, scalar_prefetch = 0 : i64, scratch_operands = 4 : i64, tpu.core_type = #tpu.core_type<sc_vector_subcore>, window_params = [{transform_indices = #map}, {transform_indices = #map1}]} {
    %mul3A = arith.constant 16 : i32
    %mul3A_0 = arith.muli %arg0, %mul3A : i32
    %add3A = arith.addi %mul3A_0, %arg1 : i32
    "tpu.region"() ({
      %run_scoped3A = tpu.sem_alloc : memref<!tpu.dma_semaphore, #tpu.memory_space<semaphore_mem>>
      %dma_start3A = arith.constant 0 : i32
      %dma_start3A_61 = arith.constant 0 : i32
      %dma_start3A_62 = tpu.memref_slice %arg2[%add3A, %dma_start3A, %dma_start3A_61] : memref<32x79x128xi32, #tpu.memory_space<hbm>> -> memref<1x79x128xi32, #tpu.memory_space<hbm>>
      %dma_start3A_63 = tpu.memref_squeeze %dma_start3A_62 : memref<1x79x128xi32, #tpu.memory_space<hbm>> -> memref<79x128xi32, #tpu.memory_space<hbm>>
      %dma_start3A_64 = arith.constant 0 : i32
      %dma_start3A_65 = arith.constant 0 : i32
      %dma_start3A_66 = tpu.memref_slice %arg2[%add3A, %dma_start3A_64, %dma_start3A_65] : memref<32x79x128xi32, #tpu.memory_space<hbm>> -> memref<1x79x128xi32, #tpu.memory_space<hbm>>
      %dma_start3A_67 = tpu.memref_squeeze %dma_start3A_66 : memref<1x79x128xi32, #tpu.memory_space<hbm>> -> memref<79x128xi32, #tpu.memory_space<hbm>>
      tpu.enqueue_dma source(%dma_start3A_67 : memref<79x128xi32, #tpu.memory_space<hbm>>) target(%arg4 : memref<79x128xi32, #tpu.memory_space<vmem>>) target_semaphore(%run_scoped3A : memref<!tpu.dma_semaphore, #tpu.memory_space<semaphore_mem>>)
      %dma_wait3A = arith.constant 0 : i32
      %dma_wait3A_68 = arith.constant 0 : i32
      %dma_wait3A_69 = tpu.memref_slice %arg2[%add3A, %dma_wait3A, %dma_wait3A_68] : memref<32x79x128xi32, #tpu.memory_space<hbm>> -> memref<1x79x128xi32, #tpu.memory_space<hbm>>
      %dma_wait3A_70 = tpu.memref_squeeze %dma_wait3A_69 : memref<1x79x128xi32, #tpu.memory_space<hbm>> -> memref<79x128xi32, #tpu.memory_space<hbm>>
      %dma_wait3A_71 = arith.constant 0 : i32
      %dma_wait3A_72 = arith.constant 0 : i32
      %dma_wait3A_73 = tpu.memref_slice %arg2[%add3A, %dma_wait3A_71, %dma_wait3A_72] : memref<32x79x128xi32, #tpu.memory_space<hbm>> -> memref<1x79x128xi32, #tpu.memory_space<hbm>>
      %dma_wait3A_74 = tpu.memref_squeeze %dma_wait3A_73 : memref<1x79x128xi32, #tpu.memory_space<hbm>> -> memref<79x128xi32, #tpu.memory_space<hbm>>
      tpu.wait_dma2 semaphore(%run_scoped3A : memref<!tpu.dma_semaphore, #tpu.memory_space<semaphore_mem>>) src(%dma_wait3A_74 : memref<79x128xi32, #tpu.memory_space<hbm>>) dst(%arg4 : memref<79x128xi32, #tpu.memory_space<vmem>>)
      tpu.yield
    }) : () -> ()
    %broadcast_in_dim3A = arith.constant 1.000000e+00 : f32
    %broadcast_in_dim3A_1 = vector.broadcast %broadcast_in_dim3A : f32 to vector<16xf32>
    %swap3A = arith.constant 0 : index
    %swap3A_2 = tpu.vector_load %arg5[%swap3A] {strides = array<i32>} : memref<128xf32, #tpu.memory_space<vmem>>, vector<16xf32>,
    %swap3A_3 = vector.shape_cast %swap3A_2 : vector<16xf32> to vector<16xf32>
    %swap3A_4 = vector.shape_cast %broadcast_in_dim3A_1 : vector<16xf32> to vector<16xf32>
    tpu.vector_store %arg5[%swap3A], %swap3A_4 {strides = array<i32>} : memref<128xf32, #tpu.memory_space<vmem>>, vector<16xf32>,
    %broadcast_in_dim3A_5 = arith.constant 1.000000e+00 : f32
    %broadcast_in_dim3A_6 = vector.broadcast %broadcast_in_dim3A_5 : f32 to vector<16xf32>
    %swap3A_7 = arith.constant 16 : index
    %swap3A_8 = tpu.vector_load %arg5[%swap3A_7] {strides = array<i32>} : memref<128xf32, #tpu.memory_space<vmem>>, vector<16xf32>,
    %swap3A_9 = vector.shape_cast %swap3A_8 : vector<16xf32> to vector<16xf32>
    %swap3A_10 = vector.shape_cast %broadcast_in_dim3A_6 : vector<16xf32> to vector<16xf32>
    tpu.vector_store %arg5[%swap3A_7], %swap3A_10 {strides = array<i32>} : memref<128xf32, #tpu.memory_space<vmem>>, vector<16xf32>,
    %broadcast_in_dim3A_11 = arith.constant 1.000000e+00 : f32
    %broadcast_in_dim3A_12 = vector.broadcast %broadcast_in_dim3A_11 : f32 to vector<16xf32>
    %swap3A_13 = arith.constant 32 : index
    %swap3A_14 = tpu.vector_load %arg5[%swap3A_13] {strides = array<i32>} : memref<128xf32, #tpu.memory_space<vmem>>, vector<16xf32>,
    %swap3A_15 = vector.shape_cast %swap3A_14 : vector<16xf32> to vector<16xf32>
    %swap3A_16 = vector.shape_cast %broadcast_in_dim3A_12 : vector<16xf32> to vector<16xf32>
    tpu.vector_store %arg5[%swap3A_13], %swap3A_16 {strides = array<i32>} : memref<128xf32, #tpu.memory_space<vmem>>, vector<16xf32>,
    %broadcast_in_dim3A_17 = arith.constant 1.000000e+00 : f32
    %broadcast_in_dim3A_18 = vector.broadcast %broadcast_in_dim3A_17 : f32 to vector<16xf32>
    %swap3A_19 = arith.constant 48 : index
    %swap3A_20 = tpu.vector_load %arg5[%swap3A_19] {strides = array<i32>} : memref<128xf32, #tpu.memory_space<vmem>>, vector<16xf32>,
    %swap3A_21 = vector.shape_cast %swap3A_20 : vector<16xf32> to vector<16xf32>
    %swap3A_22 = vector.shape_cast %broadcast_in_dim3A_18 : vector<16xf32> to vector<16xf32>
    tpu.vector_store %arg5[%swap3A_19], %swap3A_22 {strides = array<i32>} : memref<128xf32, #tpu.memory_space<vmem>>, vector<16xf32>,
    %broadcast_in_dim3A_23 = arith.constant 1.000000e+00 : f32
    %broadcast_in_dim3A_24 = vector.broadcast %broadcast_in_dim3A_23 : f32 to vector<16xf32>
    %swap3A_25 = arith.constant 64 : index
    %swap3A_26 = tpu.vector_load %arg5[%swap3A_25] {strides = array<i32>} : memref<128xf32, #tpu.memory_space<vmem>>, vector<16xf32>,
    %swap3A_27 = vector.shape_cast %swap3A_26 : vector<16xf32> to vector<16xf32>
    %swap3A_28 = vector.shape_cast %broadcast_in_dim3A_24 : vector<16xf32> to vector<16xf32>
    tpu.vector_store %arg5[%swap3A_25], %swap3A_28 {strides = array<i32>} : memref<128xf32, #tpu.memory_space<vmem>>, vector<16xf32>,
    %broadcast_in_dim3A_29 = arith.constant 1.000000e+00 : f32
    %broadcast_in_dim3A_30 = vector.broadcast %broadcast_in_dim3A_29 : f32 to vector<16xf32>
    %swap3A_31 = arith.constant 80 : index
    %swap3A_32 = tpu.vector_load %arg5[%swap3A_31] {strides = array<i32>} : memref<128xf32, #tpu.memory_space<vmem>>, vector<16xf32>,
    %swap3A_33 = vector.shape_cast %swap3A_32 : vector<16xf32> to vector<16xf32>
    %swap3A_34 = vector.shape_cast %broadcast_in_dim3A_30 : vector<16xf32> to vector<16xf32>
    tpu.vector_store %arg5[%swap3A_31], %swap3A_34 {strides = array<i32>} : memref<128xf32, #tpu.memory_space<vmem>>, vector<16xf32>,
    %broadcast_in_dim3A_35 = arith.constant 1.000000e+00 : f32
    %broadcast_in_dim3A_36 = vector.broadcast %broadcast_in_dim3A_35 : f32 to vector<16xf32>
    %swap3A_37 = arith.constant 96 : index
    %swap3A_38 = tpu.vector_load %arg5[%swap3A_37] {strides = array<i32>} : memref<128xf32, #tpu.memory_space<vmem>>, vector<16xf32>,
    %swap3A_39 = vector.shape_cast %swap3A_38 : vector<16xf32> to vector<16xf32>
    %swap3A_40 = vector.shape_cast %broadcast_in_dim3A_36 : vector<16xf32> to vector<16xf32>
    tpu.vector_store %arg5[%swap3A_37], %swap3A_40 {strides = array<i32>} : memref<128xf32, #tpu.memory_space<vmem>>, vector<16xf32>,
    %broadcast_in_dim3A_41 = arith.constant 1.000000e+00 : f32
    %broadcast_in_dim3A_42 = vector.broadcast %broadcast_in_dim3A_41 : f32 to vector<16xf32>
    %swap3A_43 = arith.constant 112 : index
    %swap3A_44 = tpu.vector_load %arg5[%swap3A_43] {strides = array<i32>} : memref<128xf32, #tpu.memory_space<vmem>>, vector<16xf32>,
    %swap3A_45 = vector.shape_cast %swap3A_44 : vector<16xf32> to vector<16xf32>
    %swap3A_46 = vector.shape_cast %broadcast_in_dim3A_42 : vector<16xf32> to vector<16xf32>
    tpu.vector_store %arg5[%swap3A_43], %swap3A_46 {strides = array<i32>} : memref<128xf32, #tpu.memory_space<vmem>>, vector<16xf32>,
    %scan3A = arith.constant 0 : i32
    %scan3A_47 = arith.constant 0 : i32
    %scan3A_48 = arith.constant 40 : i32
    %scan3A_49 = arith.addi %scan3A_47, %scan3A_48 : i32
    %scan3A_50 = arith.constant 1 : i32
    scf.for %scan3A_61 = %scan3A_47 to %scan3A_49 step %scan3A_50  : i32 {
      %broadcast_in_dim3A_62 = arith.constant 0.000000e+00 : f32
      %broadcast_in_dim3A_63 = vector.broadcast %broadcast_in_dim3A_62 : f32 to vector<16xf32>
      %mul3A_64 = arith.constant 16 : i32
      %mul3A_65 = arith.muli %scan3A_61, %mul3A_64 : i32
      %swap3A_66 = arith.index_cast %mul3A_65 : i32 to index
      %swap3A_67 = tpu.vector_load %arg6[%swap3A_66] {strides = array<i32>} : memref<640xf32, #tpu.memory_space<vmem>>, vector<16xf32>,
      %swap3A_68 = vector.shape_cast %swap3A_67 : vector<16xf32> to vector<16xf32>
      %swap3A_69 = vector.shape_cast %broadcast_in_dim3A_63 : vector<16xf32> to vector<16xf32>
      tpu.vector_store %arg6[%swap3A_66], %swap3A_69 {strides = array<i32>} : memref<640xf32, #tpu.memory_space<vmem>>, vector<16xf32>,
    }
    %scan3A_51 = arith.constant 40 : i32
    %mul3A_52 = arith.constant 640 : i32
    %mul3A_53 = arith.muli %arg1, %mul3A_52 : i32
    "tpu.region"() ({
      %run_scoped3A = tpu.sem_alloc : memref<!tpu.dma_semaphore, #tpu.memory_space<semaphore_mem>>
      %dma_start3A = tpu.memref_slice %arg7[%mul3A_53] : memref<10240xf32, #tpu.memory_space<vmem_shared>> -> memref<640xf32, #tpu.memory_space<vmem_shared>>
      %dma_start3A_61 = tpu.memref_slice %arg7[%mul3A_53] : memref<10240xf32, #tpu.memory_space<vmem_shared>> -> memref<640xf32, #tpu.memory_space<vmem_shared>>
      tpu.enqueue_dma source(%arg6 : memref<640xf32, #tpu.memory_space<vmem>>) target(%dma_start3A_61 : memref<640xf32, #tpu.memory_space<vmem_shared>>) target_semaphore(%run_scoped3A : memref<!tpu.dma_semaphore, #tpu.memory_space<semaphore_mem>>)
      %dma_wait3A = tpu.memref_slice %arg7[%mul3A_53] : memref<10240xf32, #tpu.memory_space<vmem_shared>> -> memref<640xf32, #tpu.memory_space<vmem_shared>>
      %dma_wait3A_62 = tpu.memref_slice %arg7[%mul3A_53] : memref<10240xf32, #tpu.memory_space<vmem_shared>> -> memref<640xf32, #tpu.memory_space<vmem_shared>>
      tpu.wait_dma2 semaphore(%run_scoped3A : memref<!tpu.dma_semaphore, #tpu.memory_space<semaphore_mem>>) src(%arg6 : memref<640xf32, #tpu.memory_space<vmem>>) dst(%dma_wait3A_62 : memref<640xf32, #tpu.memory_space<vmem_shared>>)
      tpu.yield
    }) : () -> ()
    %barrier3A = arith.constant 0 : index
    tpu.barrier barrier_id(%barrier3A)
    %scan3A_54 = arith.constant 0 : i32
    %scan3A_55 = arith.constant 0 : i32
    %scan3A_56 = arith.constant 79 : i32
    %scan3A_57 = arith.addi %scan3A_55, %scan3A_56 : i32
    %scan3A_58 = arith.constant 1 : i32
    scf.for %scan3A_61 = %scan3A_55 to %scan3A_57 step %scan3A_58  : i32 {
      "tpu.region"() ({
        %run_scoped3A = tpu.sem_alloc : memref<!tpu.dma_semaphore, #tpu.memory_space<semaphore_mem>>
        %dma_start3A = arith.constant 0 : i32
        %dma_start3A_62 = tpu.memref_slice %arg4[%scan3A_61, %dma_start3A] : memref<79x128xi32, #tpu.memory_space<vmem>> -> memref<1x128xi32, #tpu.memory_space<vmem>>
        %dma_start3A_63 = tpu.memref_squeeze %dma_start3A_62 : memref<1x128xi32, #tpu.memory_space<vmem>> -> memref<128xi32, #tpu.memory_space<vmem>>
        %dma_start3A_64 = arith.constant 0 : i32
        %dma_start3A_65 = tpu.memref_slice %arg7[%dma_start3A_64] : memref<10240xf32, #tpu.memory_space<vmem_shared>> -> memref<10240xf32, #tpu.memory_space<vmem_shared>>
        tpu.enqueue_indirect_dma source(%arg5 : memref<128xf32, #tpu.memory_space<vmem>>) target(%dma_start3A_65 : memref<10240xf32, #tpu.memory_space<vmem_shared>>) offsets(%dma_start3A_63 : memref<128xi32, #tpu.memory_space<vmem>>) semaphore(%run_scoped3A : memref<!tpu.dma_semaphore, #tpu.memory_space<semaphore_mem>>) {add = true}
        %dma_wait3A = arith.constant 0 : i32
        %dma_wait3A_66 = tpu.memref_slice %arg4[%scan3A_61, %dma_wait3A] : memref<79x128xi32, #tpu.memory_space<vmem>> -> memref<1x128xi32, #tpu.memory_space<vmem>>
        %dma_wait3A_67 = tpu.memref_squeeze %dma_wait3A_66 : memref<1x128xi32, #tpu.memory_space<vmem>> -> memref<128xi32, #tpu.memory_space<vmem>>
        %dma_wait3A_68 = arith.constant 0 : i32
        %dma_wait3A_69 = tpu.memref_slice %arg7[%dma_wait3A_68] : memref<10240xf32, #tpu.memory_space<vmem_shared>> -> memref<10240xf32, #tpu.memory_space<vmem_shared>>
        tpu.wait_indirect_dma semaphore(%run_scoped3A : memref<!tpu.dma_semaphore, #tpu.memory_space<semaphore_mem>>) src(%arg5 : memref<128xf32, #tpu.memory_space<vmem>>) dst(%dma_wait3A_69 : memref<10240xf32, #tpu.memory_space<vmem_shared>>)
        tpu.yield
      }) : () -> ()
    }
    %scan3A_59 = arith.constant 79 : i32
    %barrier3A_60 = arith.constant 0 : index
    tpu.barrier barrier_id(%barrier3A_60)
    "tpu.region"() ({
      %run_scoped3A = tpu.sem_alloc : memref<!tpu.dma_semaphore, #tpu.memory_space<semaphore_mem>>
      %dma_start3A = tpu.memref_slice %arg3[%arg0, %mul3A_53] : memref<2x10240xf32, #tpu.memory_space<hbm>> -> memref<1x640xf32, #tpu.memory_space<hbm>>
      %dma_start3A_61 = tpu.memref_squeeze %dma_start3A : memref<1x640xf32, #tpu.memory_space<hbm>> -> memref<640xf32, #tpu.memory_space<hbm>>
      %dma_start3A_62 = tpu.memref_slice %arg7[%mul3A_53] : memref<10240xf32, #tpu.memory_space<vmem_shared>> -> memref<640xf32, #tpu.memory_space<vmem_shared>>
      tpu.enqueue_dma source(%dma_start3A_62 : memref<640xf32, #tpu.memory_space<vmem_shared>>) target(%dma_start3A_61 : memref<640xf32, #tpu.memory_space<hbm>>) target_semaphore(%run_scoped3A : memref<!tpu.dma_semaphore, #tpu.memory_space<semaphore_mem>>)
      %dma_wait3A = tpu.memref_slice %arg3[%arg0, %mul3A_53] : memref<2x10240xf32, #tpu.memory_space<hbm>> -> memref<1x640xf32, #tpu.memory_space<hbm>>
      %dma_wait3A_63 = tpu.memref_squeeze %dma_wait3A : memref<1x640xf32, #tpu.memory_space<hbm>> -> memref<640xf32, #tpu.memory_space<hbm>>
      %dma_wait3A_64 = tpu.memref_slice %arg7[%mul3A_53] : memref<10240xf32, #tpu.memory_space<vmem_shared>> -> memref<640xf32, #tpu.memory_space<vmem_shared>>
      tpu.wait_dma2 semaphore(%run_scoped3A : memref<!tpu.dma_semaphore, #tpu.memory_space<semaphore_mem>>) src(%dma_wait3A_64 : memref<640xf32, #tpu.memory_space<vmem_shared>>) dst(%dma_wait3A_63 : memref<640xf32, #tpu.memory_space<hbm>>)
      tpu.yield
    }) : () -> ()
    return
  }
}

#map = affine_map<(d0, d1) -> (0, 0)>
#map1 = affine_map<(d0, d1) -> (0, 0, 0)>
module attributes {stable_mosaic.version = 14 : i64} {
  func.func @_msg_kernel(%arg0: i32, %arg1: i32, %arg2: memref<10240x64xf32, #tpu.memory_space<hbm>>, %arg3: memref<32x79x128xi32, #tpu.memory_space<hbm>>, %arg4: memref<32x79x128xi32, #tpu.memory_space<hbm>>, %arg5: memref<2x10240x64xf32, #tpu.memory_space<hbm>>, %arg6: memref<79x128xi32, #tpu.memory_space<vmem>>, %arg7: memref<79x128xi32, #tpu.memory_space<vmem>>, %arg8: memref<128x64xf32, #tpu.memory_space<vmem>>, %arg9: memref<128x64xf32, #tpu.memory_space<vmem>>, %arg10: memref<10240x64xf32, #tpu.memory_space<vmem_shared>>, %arg11: memref<!tpu.dma_semaphore, #tpu.memory_space<semaphore_mem>>) attributes {dimension_semantics = [#tpu.dimension_semantics<core_parallel>, #tpu.dimension_semantics<subcore_parallel>], iteration_bounds = array<i64: 2, 16>, scalar_prefetch = 0 : i64, scratch_operands = 6 : i64, tpu.core_type = #tpu.core_type<sc_vector_subcore>, window_params = [{transform_indices = #map}, {transform_indices = #map1}, {transform_indices = #map1}, {transform_indices = #map1}]} {
    %mul3A = arith.constant 16 : i32
    %mul3A_0 = arith.muli %arg0, %mul3A : i32
    %add3A = arith.addi %mul3A_0, %arg1 : i32
    "tpu.region"() ({
      %run_scoped3A = tpu.sem_alloc : memref<!tpu.dma_semaphore, #tpu.memory_space<semaphore_mem>>
      %dma_start3A = arith.constant 0 : i32
      %dma_start3A_25 = arith.constant 0 : i32
      %dma_start3A_26 = tpu.memref_slice %arg3[%add3A, %dma_start3A, %dma_start3A_25] : memref<32x79x128xi32, #tpu.memory_space<hbm>> -> memref<1x79x128xi32, #tpu.memory_space<hbm>>
      %dma_start3A_27 = tpu.memref_squeeze %dma_start3A_26 : memref<1x79x128xi32, #tpu.memory_space<hbm>> -> memref<79x128xi32, #tpu.memory_space<hbm>>
      %dma_start3A_28 = arith.constant 0 : i32
      %dma_start3A_29 = arith.constant 0 : i32
      %dma_start3A_30 = tpu.memref_slice %arg3[%add3A, %dma_start3A_28, %dma_start3A_29] : memref<32x79x128xi32, #tpu.memory_space<hbm>> -> memref<1x79x128xi32, #tpu.memory_space<hbm>>
      %dma_start3A_31 = tpu.memref_squeeze %dma_start3A_30 : memref<1x79x128xi32, #tpu.memory_space<hbm>> -> memref<79x128xi32, #tpu.memory_space<hbm>>
      tpu.enqueue_dma source(%dma_start3A_31 : memref<79x128xi32, #tpu.memory_space<hbm>>) target(%arg6 : memref<79x128xi32, #tpu.memory_space<vmem>>) target_semaphore(%run_scoped3A : memref<!tpu.dma_semaphore, #tpu.memory_space<semaphore_mem>>)
      %dma_wait3A = arith.constant 0 : i32
      %dma_wait3A_32 = arith.constant 0 : i32
      %dma_wait3A_33 = tpu.memref_slice %arg3[%add3A, %dma_wait3A, %dma_wait3A_32] : memref<32x79x128xi32, #tpu.memory_space<hbm>> -> memref<1x79x128xi32, #tpu.memory_space<hbm>>
      %dma_wait3A_34 = tpu.memref_squeeze %dma_wait3A_33 : memref<1x79x128xi32, #tpu.memory_space<hbm>> -> memref<79x128xi32, #tpu.memory_space<hbm>>
      %dma_wait3A_35 = arith.constant 0 : i32
      %dma_wait3A_36 = arith.constant 0 : i32
      %dma_wait3A_37 = tpu.memref_slice %arg3[%add3A, %dma_wait3A_35, %dma_wait3A_36] : memref<32x79x128xi32, #tpu.memory_space<hbm>> -> memref<1x79x128xi32, #tpu.memory_space<hbm>>
      %dma_wait3A_38 = tpu.memref_squeeze %dma_wait3A_37 : memref<1x79x128xi32, #tpu.memory_space<hbm>> -> memref<79x128xi32, #tpu.memory_space<hbm>>
      tpu.wait_dma2 semaphore(%run_scoped3A : memref<!tpu.dma_semaphore, #tpu.memory_space<semaphore_mem>>) src(%dma_wait3A_38 : memref<79x128xi32, #tpu.memory_space<hbm>>) dst(%arg6 : memref<79x128xi32, #tpu.memory_space<vmem>>)
      tpu.yield
    }) : () -> ()
    "tpu.region"() ({
      %run_scoped3A = tpu.sem_alloc : memref<!tpu.dma_semaphore, #tpu.memory_space<semaphore_mem>>
      %dma_start3A = arith.constant 0 : i32
      %dma_start3A_25 = arith.constant 0 : i32
      %dma_start3A_26 = tpu.memref_slice %arg4[%add3A, %dma_start3A, %dma_start3A_25] : memref<32x79x128xi32, #tpu.memory_space<hbm>> -> memref<1x79x128xi32, #tpu.memory_space<hbm>>
      %dma_start3A_27 = tpu.memref_squeeze %dma_start3A_26 : memref<1x79x128xi32, #tpu.memory_space<hbm>> -> memref<79x128xi32, #tpu.memory_space<hbm>>
      %dma_start3A_28 = arith.constant 0 : i32
      %dma_start3A_29 = arith.constant 0 : i32
      %dma_start3A_30 = tpu.memref_slice %arg4[%add3A, %dma_start3A_28, %dma_start3A_29] : memref<32x79x128xi32, #tpu.memory_space<hbm>> -> memref<1x79x128xi32, #tpu.memory_space<hbm>>
      %dma_start3A_31 = tpu.memref_squeeze %dma_start3A_30 : memref<1x79x128xi32, #tpu.memory_space<hbm>> -> memref<79x128xi32, #tpu.memory_space<hbm>>
      tpu.enqueue_dma source(%dma_start3A_31 : memref<79x128xi32, #tpu.memory_space<hbm>>) target(%arg7 : memref<79x128xi32, #tpu.memory_space<vmem>>) target_semaphore(%run_scoped3A : memref<!tpu.dma_semaphore, #tpu.memory_space<semaphore_mem>>)
      %dma_wait3A = arith.constant 0 : i32
      %dma_wait3A_32 = arith.constant 0 : i32
      %dma_wait3A_33 = tpu.memref_slice %arg4[%add3A, %dma_wait3A, %dma_wait3A_32] : memref<32x79x128xi32, #tpu.memory_space<hbm>> -> memref<1x79x128xi32, #tpu.memory_space<hbm>>
      %dma_wait3A_34 = tpu.memref_squeeze %dma_wait3A_33 : memref<1x79x128xi32, #tpu.memory_space<hbm>> -> memref<79x128xi32, #tpu.memory_space<hbm>>
      %dma_wait3A_35 = arith.constant 0 : i32
      %dma_wait3A_36 = arith.constant 0 : i32
      %dma_wait3A_37 = tpu.memref_slice %arg4[%add3A, %dma_wait3A_35, %dma_wait3A_36] : memref<32x79x128xi32, #tpu.memory_space<hbm>> -> memref<1x79x128xi32, #tpu.memory_space<hbm>>
      %dma_wait3A_38 = tpu.memref_squeeze %dma_wait3A_37 : memref<1x79x128xi32, #tpu.memory_space<hbm>> -> memref<79x128xi32, #tpu.memory_space<hbm>>
      tpu.wait_dma2 semaphore(%run_scoped3A : memref<!tpu.dma_semaphore, #tpu.memory_space<semaphore_mem>>) src(%dma_wait3A_38 : memref<79x128xi32, #tpu.memory_space<hbm>>) dst(%arg7 : memref<79x128xi32, #tpu.memory_space<vmem>>)
      tpu.yield
    }) : () -> ()
    %scan3A = arith.constant 0 : i32
    %scan3A_1 = arith.constant 0 : i32
    %scan3A_2 = arith.constant 128 : i32
    %scan3A_3 = arith.addi %scan3A_1, %scan3A_2 : i32
    %scan3A_4 = arith.constant 1 : i32
    scf.for %scan3A_25 = %scan3A_1 to %scan3A_3 step %scan3A_4  : i32 {
      %scan3A_26 = arith.constant 0 : i32
      %scan3A_27 = arith.constant 4 : i32
      %scan3A_28 = arith.addi %scan3A_26, %scan3A_27 : i32
      %scan3A_29 = arith.constant 1 : i32
      scf.for %scan3A_31 = %scan3A_26 to %scan3A_28 step %scan3A_29  : i32 {
        %broadcast_in_dim3A = arith.constant 0.000000e+00 : f32
        %broadcast_in_dim3A_32 = vector.broadcast %broadcast_in_dim3A : f32 to vector<16xf32>
        %mul3A_33 = arith.constant 16 : i32
        %mul3A_34 = arith.muli %scan3A_31, %mul3A_33 : i32
        %swap3A = arith.index_cast %scan3A_25 : i32 to index
        %swap3A_35 = arith.index_cast %mul3A_34 : i32 to index
        %swap3A_36 = tpu.vector_load %arg9[%swap3A, %swap3A_35] {strides = array<i32>} : memref<128x64xf32, #tpu.memory_space<vmem>>, vector<1x16xf32>,
        %swap3A_37 = vector.shape_cast %swap3A_36 : vector<1x16xf32> to vector<16xf32>
        %swap3A_38 = vector.shape_cast %broadcast_in_dim3A_32 : vector<16xf32> to vector<1x16xf32>
        tpu.vector_store %arg9[%swap3A, %swap3A_35], %swap3A_38 {strides = array<i32>} : memref<128x64xf32, #tpu.memory_space<vmem>>, vector<1x16xf32>,
      }
      %scan3A_30 = arith.constant 4 : i32
    }
    %scan3A_5 = arith.constant 128 : i32
    %mul3A_6 = arith.constant 640 : i32
    %mul3A_7 = arith.muli %arg1, %mul3A_6 : i32
    %add3A_8 = arith.constant 0 : i32
    %add3A_9 = arith.addi %mul3A_7, %add3A_8 : i32
    "tpu.region"() ({
      %run_scoped3A = tpu.sem_alloc : memref<!tpu.dma_semaphore, #tpu.memory_space<semaphore_mem>>
      %dma_start3A = arith.constant 0 : i32
      %dma_start3A_25 = tpu.memref_slice %arg10[%add3A_9, %dma_start3A] : memref<10240x64xf32, #tpu.memory_space<vmem_shared>> -> memref<128x64xf32, #tpu.memory_space<vmem_shared>>
      %dma_start3A_26 = arith.constant 0 : i32
      %dma_start3A_27 = tpu.memref_slice %arg10[%add3A_9, %dma_start3A_26] : memref<10240x64xf32, #tpu.memory_space<vmem_shared>> -> memref<128x64xf32, #tpu.memory_space<vmem_shared>>
      tpu.enqueue_dma source(%arg9 : memref<128x64xf32, #tpu.memory_space<vmem>>) target(%dma_start3A_27 : memref<128x64xf32, #tpu.memory_space<vmem_shared>>) target_semaphore(%run_scoped3A : memref<!tpu.dma_semaphore, #tpu.memory_space<semaphore_mem>>)
      %dma_wait3A = arith.constant 0 : i32
      %dma_wait3A_28 = tpu.memref_slice %arg10[%add3A_9, %dma_wait3A] : memref<10240x64xf32, #tpu.memory_space<vmem_shared>> -> memref<128x64xf32, #tpu.memory_space<vmem_shared>>
      %dma_wait3A_29 = arith.constant 0 : i32
      %dma_wait3A_30 = tpu.memref_slice %arg10[%add3A_9, %dma_wait3A_29] : memref<10240x64xf32, #tpu.memory_space<vmem_shared>> -> memref<128x64xf32, #tpu.memory_space<vmem_shared>>
      tpu.wait_dma2 semaphore(%run_scoped3A : memref<!tpu.dma_semaphore, #tpu.memory_space<semaphore_mem>>) src(%arg9 : memref<128x64xf32, #tpu.memory_space<vmem>>) dst(%dma_wait3A_30 : memref<128x64xf32, #tpu.memory_space<vmem_shared>>)
      tpu.yield
    }) : () -> ()
    %add3A_10 = arith.constant 128 : i32
    %add3A_11 = arith.addi %mul3A_7, %add3A_10 : i32
    "tpu.region"() ({
      %run_scoped3A = tpu.sem_alloc : memref<!tpu.dma_semaphore, #tpu.memory_space<semaphore_mem>>
      %dma_start3A = arith.constant 0 : i32
      %dma_start3A_25 = tpu.memref_slice %arg10[%add3A_11, %dma_start3A] : memref<10240x64xf32, #tpu.memory_space<vmem_shared>> -> memref<128x64xf32, #tpu.memory_space<vmem_shared>>
      %dma_start3A_26 = arith.constant 0 : i32
      %dma_start3A_27 = tpu.memref_slice %arg10[%add3A_11, %dma_start3A_26] : memref<10240x64xf32, #tpu.memory_space<vmem_shared>> -> memref<128x64xf32, #tpu.memory_space<vmem_shared>>
      tpu.enqueue_dma source(%arg9 : memref<128x64xf32, #tpu.memory_space<vmem>>) target(%dma_start3A_27 : memref<128x64xf32, #tpu.memory_space<vmem_shared>>) target_semaphore(%run_scoped3A : memref<!tpu.dma_semaphore, #tpu.memory_space<semaphore_mem>>)
      %dma_wait3A = arith.constant 0 : i32
      %dma_wait3A_28 = tpu.memref_slice %arg10[%add3A_11, %dma_wait3A] : memref<10240x64xf32, #tpu.memory_space<vmem_shared>> -> memref<128x64xf32, #tpu.memory_space<vmem_shared>>
      %dma_wait3A_29 = arith.constant 0 : i32
      %dma_wait3A_30 = tpu.memref_slice %arg10[%add3A_11, %dma_wait3A_29] : memref<10240x64xf32, #tpu.memory_space<vmem_shared>> -> memref<128x64xf32, #tpu.memory_space<vmem_shared>>
      tpu.wait_dma2 semaphore(%run_scoped3A : memref<!tpu.dma_semaphore, #tpu.memory_space<semaphore_mem>>) src(%arg9 : memref<128x64xf32, #tpu.memory_space<vmem>>) dst(%dma_wait3A_30 : memref<128x64xf32, #tpu.memory_space<vmem_shared>>)
      tpu.yield
    }) : () -> ()
    %add3A_12 = arith.constant 256 : i32
    %add3A_13 = arith.addi %mul3A_7, %add3A_12 : i32
    "tpu.region"() ({
      %run_scoped3A = tpu.sem_alloc : memref<!tpu.dma_semaphore, #tpu.memory_space<semaphore_mem>>
      %dma_start3A = arith.constant 0 : i32
      %dma_start3A_25 = tpu.memref_slice %arg10[%add3A_13, %dma_start3A] : memref<10240x64xf32, #tpu.memory_space<vmem_shared>> -> memref<128x64xf32, #tpu.memory_space<vmem_shared>>
      %dma_start3A_26 = arith.constant 0 : i32
      %dma_start3A_27 = tpu.memref_slice %arg10[%add3A_13, %dma_start3A_26] : memref<10240x64xf32, #tpu.memory_space<vmem_shared>> -> memref<128x64xf32, #tpu.memory_space<vmem_shared>>
      tpu.enqueue_dma source(%arg9 : memref<128x64xf32, #tpu.memory_space<vmem>>) target(%dma_start3A_27 : memref<128x64xf32, #tpu.memory_space<vmem_shared>>) target_semaphore(%run_scoped3A : memref<!tpu.dma_semaphore, #tpu.memory_space<semaphore_mem>>)
      %dma_wait3A = arith.constant 0 : i32
      %dma_wait3A_28 = tpu.memref_slice %arg10[%add3A_13, %dma_wait3A] : memref<10240x64xf32, #tpu.memory_space<vmem_shared>> -> memref<128x64xf32, #tpu.memory_space<vmem_shared>>
      %dma_wait3A_29 = arith.constant 0 : i32
      %dma_wait3A_30 = tpu.memref_slice %arg10[%add3A_13, %dma_wait3A_29] : memref<10240x64xf32, #tpu.memory_space<vmem_shared>> -> memref<128x64xf32, #tpu.memory_space<vmem_shared>>
      tpu.wait_dma2 semaphore(%run_scoped3A : memref<!tpu.dma_semaphore, #tpu.memory_space<semaphore_mem>>) src(%arg9 : memref<128x64xf32, #tpu.memory_space<vmem>>) dst(%dma_wait3A_30 : memref<128x64xf32, #tpu.memory_space<vmem_shared>>)
      tpu.yield
    }) : () -> ()
    %add3A_14 = arith.constant 384 : i32
    %add3A_15 = arith.addi %mul3A_7, %add3A_14 : i32
    "tpu.region"() ({
      %run_scoped3A = tpu.sem_alloc : memref<!tpu.dma_semaphore, #tpu.memory_space<semaphore_mem>>
      %dma_start3A = arith.constant 0 : i32
      %dma_start3A_25 = tpu.memref_slice %arg10[%add3A_15, %dma_start3A] : memref<10240x64xf32, #tpu.memory_space<vmem_shared>> -> memref<128x64xf32, #tpu.memory_space<vmem_shared>>
      %dma_start3A_26 = arith.constant 0 : i32
      %dma_start3A_27 = tpu.memref_slice %arg10[%add3A_15, %dma_start3A_26] : memref<10240x64xf32, #tpu.memory_space<vmem_shared>> -> memref<128x64xf32, #tpu.memory_space<vmem_shared>>
      tpu.enqueue_dma source(%arg9 : memref<128x64xf32, #tpu.memory_space<vmem>>) target(%dma_start3A_27 : memref<128x64xf32, #tpu.memory_space<vmem_shared>>) target_semaphore(%run_scoped3A : memref<!tpu.dma_semaphore, #tpu.memory_space<semaphore_mem>>)
      %dma_wait3A = arith.constant 0 : i32
      %dma_wait3A_28 = tpu.memref_slice %arg10[%add3A_15, %dma_wait3A] : memref<10240x64xf32, #tpu.memory_space<vmem_shared>> -> memref<128x64xf32, #tpu.memory_space<vmem_shared>>
      %dma_wait3A_29 = arith.constant 0 : i32
      %dma_wait3A_30 = tpu.memref_slice %arg10[%add3A_15, %dma_wait3A_29] : memref<10240x64xf32, #tpu.memory_space<vmem_shared>> -> memref<128x64xf32, #tpu.memory_space<vmem_shared>>
      tpu.wait_dma2 semaphore(%run_scoped3A : memref<!tpu.dma_semaphore, #tpu.memory_space<semaphore_mem>>) src(%arg9 : memref<128x64xf32, #tpu.memory_space<vmem>>) dst(%dma_wait3A_30 : memref<128x64xf32, #tpu.memory_space<vmem_shared>>)
      tpu.yield
    }) : () -> ()
    %add3A_16 = arith.constant 512 : i32
    %add3A_17 = arith.addi %mul3A_7, %add3A_16 : i32
    "tpu.region"() ({
      %run_scoped3A = tpu.sem_alloc : memref<!tpu.dma_semaphore, #tpu.memory_space<semaphore_mem>>
      %dma_start3A = arith.constant 0 : i32
      %dma_start3A_25 = tpu.memref_slice %arg10[%add3A_17, %dma_start3A] : memref<10240x64xf32, #tpu.memory_space<vmem_shared>> -> memref<128x64xf32, #tpu.memory_space<vmem_shared>>
      %dma_start3A_26 = arith.constant 0 : i32
      %dma_start3A_27 = tpu.memref_slice %arg10[%add3A_17, %dma_start3A_26] : memref<10240x64xf32, #tpu.memory_space<vmem_shared>> -> memref<128x64xf32, #tpu.memory_space<vmem_shared>>
      tpu.enqueue_dma source(%arg9 : memref<128x64xf32, #tpu.memory_space<vmem>>) target(%dma_start3A_27 : memref<128x64xf32, #tpu.memory_space<vmem_shared>>) target_semaphore(%run_scoped3A : memref<!tpu.dma_semaphore, #tpu.memory_space<semaphore_mem>>)
      %dma_wait3A = arith.constant 0 : i32
      %dma_wait3A_28 = tpu.memref_slice %arg10[%add3A_17, %dma_wait3A] : memref<10240x64xf32, #tpu.memory_space<vmem_shared>> -> memref<128x64xf32, #tpu.memory_space<vmem_shared>>
      %dma_wait3A_29 = arith.constant 0 : i32
      %dma_wait3A_30 = tpu.memref_slice %arg10[%add3A_17, %dma_wait3A_29] : memref<10240x64xf32, #tpu.memory_space<vmem_shared>> -> memref<128x64xf32, #tpu.memory_space<vmem_shared>>
      tpu.wait_dma2 semaphore(%run_scoped3A : memref<!tpu.dma_semaphore, #tpu.memory_space<semaphore_mem>>) src(%arg9 : memref<128x64xf32, #tpu.memory_space<vmem>>) dst(%dma_wait3A_30 : memref<128x64xf32, #tpu.memory_space<vmem_shared>>)
      tpu.yield
    }) : () -> ()
    %barrier3A = arith.constant 0 : index
    tpu.barrier barrier_id(%barrier3A)
    %scan3A_18 = arith.constant 0 : i32
    %scan3A_19 = arith.constant 0 : i32
    %scan3A_20 = arith.constant 79 : i32
    %scan3A_21 = arith.addi %scan3A_19, %scan3A_20 : i32
    %scan3A_22 = arith.constant 1 : i32
    scf.for %scan3A_25 = %scan3A_19 to %scan3A_21 step %scan3A_22  : i32 {
      %dma_start3A = arith.constant 0 : i32
      %dma_start3A_26 = tpu.memref_slice %arg6[%scan3A_25, %dma_start3A] : memref<79x128xi32, #tpu.memory_space<vmem>> -> memref<1x128xi32, #tpu.memory_space<vmem>>
      %dma_start3A_27 = tpu.memref_squeeze %dma_start3A_26 : memref<1x128xi32, #tpu.memory_space<vmem>> -> memref<128xi32, #tpu.memory_space<vmem>>
      %dma_start3A_28 = arith.constant 0 : i32
      %dma_start3A_29 = arith.constant 0 : i32
      %dma_start3A_30 = tpu.memref_slice %arg2[%dma_start3A_28, %dma_start3A_29] : memref<10240x64xf32, #tpu.memory_space<hbm>> -> memref<10240x64xf32, #tpu.memory_space<hbm>>
      tpu.enqueue_indirect_dma source(%dma_start3A_30 : memref<10240x64xf32, #tpu.memory_space<hbm>>) target(%arg8 : memref<128x64xf32, #tpu.memory_space<vmem>>) offsets(%dma_start3A_27 : memref<128xi32, #tpu.memory_space<vmem>>) semaphore(%arg11 : memref<!tpu.dma_semaphore, #tpu.memory_space<semaphore_mem>>)
      %dma_wait3A = arith.constant 0 : i32
      %dma_wait3A_31 = tpu.memref_slice %arg6[%scan3A_25, %dma_wait3A] : memref<79x128xi32, #tpu.memory_space<vmem>> -> memref<1x128xi32, #tpu.memory_space<vmem>>
      %dma_wait3A_32 = tpu.memref_squeeze %dma_wait3A_31 : memref<1x128xi32, #tpu.memory_space<vmem>> -> memref<128xi32, #tpu.memory_space<vmem>>
      %dma_wait3A_33 = arith.constant 0 : i32
      %dma_wait3A_34 = arith.constant 0 : i32
      %dma_wait3A_35 = tpu.memref_slice %arg2[%dma_wait3A_33, %dma_wait3A_34] : memref<10240x64xf32, #tpu.memory_space<hbm>> -> memref<10240x64xf32, #tpu.memory_space<hbm>>
      tpu.wait_indirect_dma semaphore(%arg11 : memref<!tpu.dma_semaphore, #tpu.memory_space<semaphore_mem>>) src(%dma_wait3A_35 : memref<10240x64xf32, #tpu.memory_space<hbm>>) dst(%arg8 : memref<128x64xf32, #tpu.memory_space<vmem>>)
      "tpu.region"() ({
        %run_scoped3A = tpu.sem_alloc : memref<!tpu.dma_semaphore, #tpu.memory_space<semaphore_mem>>
        %dma_start3A_36 = arith.constant 0 : i32
        %dma_start3A_37 = tpu.memref_slice %arg7[%scan3A_25, %dma_start3A_36] : memref<79x128xi32, #tpu.memory_space<vmem>> -> memref<1x128xi32, #tpu.memory_space<vmem>>
        %dma_start3A_38 = tpu.memref_squeeze %dma_start3A_37 : memref<1x128xi32, #tpu.memory_space<vmem>> -> memref<128xi32, #tpu.memory_space<vmem>>
        %dma_start3A_39 = arith.constant 0 : i32
        %dma_start3A_40 = arith.constant 0 : i32
        %dma_start3A_41 = tpu.memref_slice %arg10[%dma_start3A_39, %dma_start3A_40] : memref<10240x64xf32, #tpu.memory_space<vmem_shared>> -> memref<10240x64xf32, #tpu.memory_space<vmem_shared>>
        tpu.enqueue_indirect_dma source(%arg8 : memref<128x64xf32, #tpu.memory_space<vmem>>) target(%dma_start3A_41 : memref<10240x64xf32, #tpu.memory_space<vmem_shared>>) offsets(%dma_start3A_38 : memref<128xi32, #tpu.memory_space<vmem>>) semaphore(%run_scoped3A : memref<!tpu.dma_semaphore, #tpu.memory_space<semaphore_mem>>) {add = true}
        %dma_wait3A_42 = arith.constant 0 : i32
        %dma_wait3A_43 = tpu.memref_slice %arg7[%scan3A_25, %dma_wait3A_42] : memref<79x128xi32, #tpu.memory_space<vmem>> -> memref<1x128xi32, #tpu.memory_space<vmem>>
        %dma_wait3A_44 = tpu.memref_squeeze %dma_wait3A_43 : memref<1x128xi32, #tpu.memory_space<vmem>> -> memref<128xi32, #tpu.memory_space<vmem>>
        %dma_wait3A_45 = arith.constant 0 : i32
        %dma_wait3A_46 = arith.constant 0 : i32
        %dma_wait3A_47 = tpu.memref_slice %arg10[%dma_wait3A_45, %dma_wait3A_46] : memref<10240x64xf32, #tpu.memory_space<vmem_shared>> -> memref<10240x64xf32, #tpu.memory_space<vmem_shared>>
        tpu.wait_indirect_dma semaphore(%run_scoped3A : memref<!tpu.dma_semaphore, #tpu.memory_space<semaphore_mem>>) src(%arg8 : memref<128x64xf32, #tpu.memory_space<vmem>>) dst(%dma_wait3A_47 : memref<10240x64xf32, #tpu.memory_space<vmem_shared>>)
        tpu.yield
      }) : () -> ()
    }
    %scan3A_23 = arith.constant 79 : i32
    %barrier3A_24 = arith.constant 0 : index
    tpu.barrier barrier_id(%barrier3A_24)
    "tpu.region"() ({
      %run_scoped3A = tpu.sem_alloc : memref<!tpu.dma_semaphore, #tpu.memory_space<semaphore_mem>>
      %dma_start3A = arith.constant 0 : i32
      %dma_start3A_25 = tpu.memref_slice %arg5[%arg0, %mul3A_7, %dma_start3A] : memref<2x10240x64xf32, #tpu.memory_space<hbm>> -> memref<1x640x64xf32, #tpu.memory_space<hbm>>
      %dma_start3A_26 = tpu.memref_squeeze %dma_start3A_25 : memref<1x640x64xf32, #tpu.memory_space<hbm>> -> memref<640x64xf32, #tpu.memory_space<hbm>>
      %dma_start3A_27 = arith.constant 0 : i32
      %dma_start3A_28 = tpu.memref_slice %arg10[%mul3A_7, %dma_start3A_27] : memref<10240x64xf32, #tpu.memory_space<vmem_shared>> -> memref<640x64xf32, #tpu.memory_space<vmem_shared>>
      tpu.enqueue_dma source(%dma_start3A_28 : memref<640x64xf32, #tpu.memory_space<vmem_shared>>) target(%dma_start3A_26 : memref<640x64xf32, #tpu.memory_space<hbm>>) target_semaphore(%run_scoped3A : memref<!tpu.dma_semaphore, #tpu.memory_space<semaphore_mem>>)
      %dma_wait3A = arith.constant 0 : i32
      %dma_wait3A_29 = tpu.memref_slice %arg5[%arg0, %mul3A_7, %dma_wait3A] : memref<2x10240x64xf32, #tpu.memory_space<hbm>> -> memref<1x640x64xf32, #tpu.memory_space<hbm>>
      %dma_wait3A_30 = tpu.memref_squeeze %dma_wait3A_29 : memref<1x640x64xf32, #tpu.memory_space<hbm>> -> memref<640x64xf32, #tpu.memory_space<hbm>>
      %dma_wait3A_31 = arith.constant 0 : i32
      %dma_wait3A_32 = tpu.memref_slice %arg10[%mul3A_7, %dma_wait3A_31] : memref<10240x64xf32, #tpu.memory_space<vmem_shared>> -> memref<640x64xf32, #tpu.memory_space<vmem_shared>>
      tpu.wait_dma2 semaphore(%run_scoped3A : memref<!tpu.dma_semaphore, #tpu.memory_space<semaphore_mem>>) src(%dma_wait3A_32 : memref<640x64xf32, #tpu.memory_space<vmem_shared>>) dst(%dma_wait3A_30 : memref<640x64xf32, #tpu.memory_space<hbm>>)
      tpu.yield
    }) : () -> ()
    return
  }
}

#map = affine_map<(d0, d1) -> (0, 0)>
#map1 = affine_map<(d0, d1) -> (0, 0, 0)>
module attributes {stable_mosaic.version = 14 : i64} {
  func.func @_msg_kernel(%arg0: i32, %arg1: i32, %arg2: memref<10240x64xf32, #tpu.memory_space<hbm>>, %arg3: memref<32x79x128xi32, #tpu.memory_space<hbm>>, %arg4: memref<32x79x128xi32, #tpu.memory_space<hbm>>, %arg5: memref<2x10240x64xf32, #tpu.memory_space<hbm>>, %arg6: memref<79x128xi32, #tpu.memory_space<vmem>>, %arg7: memref<79x128xi32, #tpu.memory_space<vmem>>, %arg8: memref<128x64xf32, #tpu.memory_space<vmem>>, %arg9: memref<128x64xf32, #tpu.memory_space<vmem>>, %arg10: memref<10240x64xf32, #tpu.memory_space<vmem_shared>>, %arg11: memref<!tpu.dma_semaphore, #tpu.memory_space<semaphore_mem>>) attributes {dimension_semantics = [#tpu.dimension_semantics<core_parallel>, #tpu.dimension_semantics<subcore_parallel>], iteration_bounds = array<i64: 2, 16>, scalar_prefetch = 0 : i64, scratch_operands = 6 : i64, tpu.core_type = #tpu.core_type<sc_vector_subcore>, window_params = [{transform_indices = #map}, {transform_indices = #map1}, {transform_indices = #map1}, {transform_indices = #map1}]} {
    %mul3A = arith.constant 16 : i32
    %mul3A_0 = arith.muli %arg0, %mul3A : i32
    %add3A = arith.addi %mul3A_0, %arg1 : i32
    "tpu.region"() ({
      %run_scoped3A = tpu.sem_alloc : memref<!tpu.dma_semaphore, #tpu.memory_space<semaphore_mem>>
      %dma_start3A = arith.constant 0 : i32
      %dma_start3A_25 = arith.constant 0 : i32
      %dma_start3A_26 = tpu.memref_slice %arg3[%add3A, %dma_start3A, %dma_start3A_25] : memref<32x79x128xi32, #tpu.memory_space<hbm>> -> memref<1x79x128xi32, #tpu.memory_space<hbm>>
      %dma_start3A_27 = tpu.memref_squeeze %dma_start3A_26 : memref<1x79x128xi32, #tpu.memory_space<hbm>> -> memref<79x128xi32, #tpu.memory_space<hbm>>
      %dma_start3A_28 = arith.constant 0 : i32
      %dma_start3A_29 = arith.constant 0 : i32
      %dma_start3A_30 = tpu.memref_slice %arg3[%add3A, %dma_start3A_28, %dma_start3A_29] : memref<32x79x128xi32, #tpu.memory_space<hbm>> -> memref<1x79x128xi32, #tpu.memory_space<hbm>>
      %dma_start3A_31 = tpu.memref_squeeze %dma_start3A_30 : memref<1x79x128xi32, #tpu.memory_space<hbm>> -> memref<79x128xi32, #tpu.memory_space<hbm>>
      tpu.enqueue_dma source(%dma_start3A_31 : memref<79x128xi32, #tpu.memory_space<hbm>>) target(%arg6 : memref<79x128xi32, #tpu.memory_space<vmem>>) target_semaphore(%run_scoped3A : memref<!tpu.dma_semaphore, #tpu.memory_space<semaphore_mem>>)
      %dma_wait3A = arith.constant 0 : i32
      %dma_wait3A_32 = arith.constant 0 : i32
      %dma_wait3A_33 = tpu.memref_slice %arg3[%add3A, %dma_wait3A, %dma_wait3A_32] : memref<32x79x128xi32, #tpu.memory_space<hbm>> -> memref<1x79x128xi32, #tpu.memory_space<hbm>>
      %dma_wait3A_34 = tpu.memref_squeeze %dma_wait3A_33 : memref<1x79x128xi32, #tpu.memory_space<hbm>> -> memref<79x128xi32, #tpu.memory_space<hbm>>
      %dma_wait3A_35 = arith.constant 0 : i32
      %dma_wait3A_36 = arith.constant 0 : i32
      %dma_wait3A_37 = tpu.memref_slice %arg3[%add3A, %dma_wait3A_35, %dma_wait3A_36] : memref<32x79x128xi32, #tpu.memory_space<hbm>> -> memref<1x79x128xi32, #tpu.memory_space<hbm>>
      %dma_wait3A_38 = tpu.memref_squeeze %dma_wait3A_37 : memref<1x79x128xi32, #tpu.memory_space<hbm>> -> memref<79x128xi32, #tpu.memory_space<hbm>>
      tpu.wait_dma2 semaphore(%run_scoped3A : memref<!tpu.dma_semaphore, #tpu.memory_space<semaphore_mem>>) src(%dma_wait3A_38 : memref<79x128xi32, #tpu.memory_space<hbm>>) dst(%arg6 : memref<79x128xi32, #tpu.memory_space<vmem>>)
      tpu.yield
    }) : () -> ()
    "tpu.region"() ({
      %run_scoped3A = tpu.sem_alloc : memref<!tpu.dma_semaphore, #tpu.memory_space<semaphore_mem>>
      %dma_start3A = arith.constant 0 : i32
      %dma_start3A_25 = arith.constant 0 : i32
      %dma_start3A_26 = tpu.memref_slice %arg4[%add3A, %dma_start3A, %dma_start3A_25] : memref<32x79x128xi32, #tpu.memory_space<hbm>> -> memref<1x79x128xi32, #tpu.memory_space<hbm>>
      %dma_start3A_27 = tpu.memref_squeeze %dma_start3A_26 : memref<1x79x128xi32, #tpu.memory_space<hbm>> -> memref<79x128xi32, #tpu.memory_space<hbm>>
      %dma_start3A_28 = arith.constant 0 : i32
      %dma_start3A_29 = arith.constant 0 : i32
      %dma_start3A_30 = tpu.memref_slice %arg4[%add3A, %dma_start3A_28, %dma_start3A_29] : memref<32x79x128xi32, #tpu.memory_space<hbm>> -> memref<1x79x128xi32, #tpu.memory_space<hbm>>
      %dma_start3A_31 = tpu.memref_squeeze %dma_start3A_30 : memref<1x79x128xi32, #tpu.memory_space<hbm>> -> memref<79x128xi32, #tpu.memory_space<hbm>>
      tpu.enqueue_dma source(%dma_start3A_31 : memref<79x128xi32, #tpu.memory_space<hbm>>) target(%arg7 : memref<79x128xi32, #tpu.memory_space<vmem>>) target_semaphore(%run_scoped3A : memref<!tpu.dma_semaphore, #tpu.memory_space<semaphore_mem>>)
      %dma_wait3A = arith.constant 0 : i32
      %dma_wait3A_32 = arith.constant 0 : i32
      %dma_wait3A_33 = tpu.memref_slice %arg4[%add3A, %dma_wait3A, %dma_wait3A_32] : memref<32x79x128xi32, #tpu.memory_space<hbm>> -> memref<1x79x128xi32, #tpu.memory_space<hbm>>
      %dma_wait3A_34 = tpu.memref_squeeze %dma_wait3A_33 : memref<1x79x128xi32, #tpu.memory_space<hbm>> -> memref<79x128xi32, #tpu.memory_space<hbm>>
      %dma_wait3A_35 = arith.constant 0 : i32
      %dma_wait3A_36 = arith.constant 0 : i32
      %dma_wait3A_37 = tpu.memref_slice %arg4[%add3A, %dma_wait3A_35, %dma_wait3A_36] : memref<32x79x128xi32, #tpu.memory_space<hbm>> -> memref<1x79x128xi32, #tpu.memory_space<hbm>>
      %dma_wait3A_38 = tpu.memref_squeeze %dma_wait3A_37 : memref<1x79x128xi32, #tpu.memory_space<hbm>> -> memref<79x128xi32, #tpu.memory_space<hbm>>
      tpu.wait_dma2 semaphore(%run_scoped3A : memref<!tpu.dma_semaphore, #tpu.memory_space<semaphore_mem>>) src(%dma_wait3A_38 : memref<79x128xi32, #tpu.memory_space<hbm>>) dst(%arg7 : memref<79x128xi32, #tpu.memory_space<vmem>>)
      tpu.yield
    }) : () -> ()
    %scan3A = arith.constant 0 : i32
    %scan3A_1 = arith.constant 0 : i32
    %scan3A_2 = arith.constant 128 : i32
    %scan3A_3 = arith.addi %scan3A_1, %scan3A_2 : i32
    %scan3A_4 = arith.constant 1 : i32
    scf.for %scan3A_25 = %scan3A_1 to %scan3A_3 step %scan3A_4  : i32 {
      %scan3A_26 = arith.constant 0 : i32
      %scan3A_27 = arith.constant 4 : i32
      %scan3A_28 = arith.addi %scan3A_26, %scan3A_27 : i32
      %scan3A_29 = arith.constant 1 : i32
      scf.for %scan3A_31 = %scan3A_26 to %scan3A_28 step %scan3A_29  : i32 {
        %broadcast_in_dim3A = arith.constant 0.000000e+00 : f32
        %broadcast_in_dim3A_32 = vector.broadcast %broadcast_in_dim3A : f32 to vector<16xf32>
        %mul3A_33 = arith.constant 16 : i32
        %mul3A_34 = arith.muli %scan3A_31, %mul3A_33 : i32
        %swap3A = arith.index_cast %scan3A_25 : i32 to index
        %swap3A_35 = arith.index_cast %mul3A_34 : i32 to index
        %swap3A_36 = tpu.vector_load %arg9[%swap3A, %swap3A_35] {strides = array<i32>} : memref<128x64xf32, #tpu.memory_space<vmem>>, vector<1x16xf32>,
        %swap3A_37 = vector.shape_cast %swap3A_36 : vector<1x16xf32> to vector<16xf32>
        %swap3A_38 = vector.shape_cast %broadcast_in_dim3A_32 : vector<16xf32> to vector<1x16xf32>
        tpu.vector_store %arg9[%swap3A, %swap3A_35], %swap3A_38 {strides = array<i32>} : memref<128x64xf32, #tpu.memory_space<vmem>>, vector<1x16xf32>,
      }
      %scan3A_30 = arith.constant 4 : i32
    }
    %scan3A_5 = arith.constant 128 : i32
    %mul3A_6 = arith.constant 640 : i32
    %mul3A_7 = arith.muli %arg1, %mul3A_6 : i32
    %add3A_8 = arith.constant 0 : i32
    %add3A_9 = arith.addi %mul3A_7, %add3A_8 : i32
    "tpu.region"() ({
      %run_scoped3A = tpu.sem_alloc : memref<!tpu.dma_semaphore, #tpu.memory_space<semaphore_mem>>
      %dma_start3A = arith.constant 0 : i32
      %dma_start3A_25 = tpu.memref_slice %arg10[%add3A_9, %dma_start3A] : memref<10240x64xf32, #tpu.memory_space<vmem_shared>> -> memref<128x64xf32, #tpu.memory_space<vmem_shared>>
      %dma_start3A_26 = arith.constant 0 : i32
      %dma_start3A_27 = tpu.memref_slice %arg10[%add3A_9, %dma_start3A_26] : memref<10240x64xf32, #tpu.memory_space<vmem_shared>> -> memref<128x64xf32, #tpu.memory_space<vmem_shared>>
      tpu.enqueue_dma source(%arg9 : memref<128x64xf32, #tpu.memory_space<vmem>>) target(%dma_start3A_27 : memref<128x64xf32, #tpu.memory_space<vmem_shared>>) target_semaphore(%run_scoped3A : memref<!tpu.dma_semaphore, #tpu.memory_space<semaphore_mem>>)
      %dma_wait3A = arith.constant 0 : i32
      %dma_wait3A_28 = tpu.memref_slice %arg10[%add3A_9, %dma_wait3A] : memref<10240x64xf32, #tpu.memory_space<vmem_shared>> -> memref<128x64xf32, #tpu.memory_space<vmem_shared>>
      %dma_wait3A_29 = arith.constant 0 : i32
      %dma_wait3A_30 = tpu.memref_slice %arg10[%add3A_9, %dma_wait3A_29] : memref<10240x64xf32, #tpu.memory_space<vmem_shared>> -> memref<128x64xf32, #tpu.memory_space<vmem_shared>>
      tpu.wait_dma2 semaphore(%run_scoped3A : memref<!tpu.dma_semaphore, #tpu.memory_space<semaphore_mem>>) src(%arg9 : memref<128x64xf32, #tpu.memory_space<vmem>>) dst(%dma_wait3A_30 : memref<128x64xf32, #tpu.memory_space<vmem_shared>>)
      tpu.yield
    }) : () -> ()
    %add3A_10 = arith.constant 128 : i32
    %add3A_11 = arith.addi %mul3A_7, %add3A_10 : i32
    "tpu.region"() ({
      %run_scoped3A = tpu.sem_alloc : memref<!tpu.dma_semaphore, #tpu.memory_space<semaphore_mem>>
      %dma_start3A = arith.constant 0 : i32
      %dma_start3A_25 = tpu.memref_slice %arg10[%add3A_11, %dma_start3A] : memref<10240x64xf32, #tpu.memory_space<vmem_shared>> -> memref<128x64xf32, #tpu.memory_space<vmem_shared>>
      %dma_start3A_26 = arith.constant 0 : i32
      %dma_start3A_27 = tpu.memref_slice %arg10[%add3A_11, %dma_start3A_26] : memref<10240x64xf32, #tpu.memory_space<vmem_shared>> -> memref<128x64xf32, #tpu.memory_space<vmem_shared>>
      tpu.enqueue_dma source(%arg9 : memref<128x64xf32, #tpu.memory_space<vmem>>) target(%dma_start3A_27 : memref<128x64xf32, #tpu.memory_space<vmem_shared>>) target_semaphore(%run_scoped3A : memref<!tpu.dma_semaphore, #tpu.memory_space<semaphore_mem>>)
      %dma_wait3A = arith.constant 0 : i32
      %dma_wait3A_28 = tpu.memref_slice %arg10[%add3A_11, %dma_wait3A] : memref<10240x64xf32, #tpu.memory_space<vmem_shared>> -> memref<128x64xf32, #tpu.memory_space<vmem_shared>>
      %dma_wait3A_29 = arith.constant 0 : i32
      %dma_wait3A_30 = tpu.memref_slice %arg10[%add3A_11, %dma_wait3A_29] : memref<10240x64xf32, #tpu.memory_space<vmem_shared>> -> memref<128x64xf32, #tpu.memory_space<vmem_shared>>
      tpu.wait_dma2 semaphore(%run_scoped3A : memref<!tpu.dma_semaphore, #tpu.memory_space<semaphore_mem>>) src(%arg9 : memref<128x64xf32, #tpu.memory_space<vmem>>) dst(%dma_wait3A_30 : memref<128x64xf32, #tpu.memory_space<vmem_shared>>)
      tpu.yield
    }) : () -> ()
    %add3A_12 = arith.constant 256 : i32
    %add3A_13 = arith.addi %mul3A_7, %add3A_12 : i32
    "tpu.region"() ({
      %run_scoped3A = tpu.sem_alloc : memref<!tpu.dma_semaphore, #tpu.memory_space<semaphore_mem>>
      %dma_start3A = arith.constant 0 : i32
      %dma_start3A_25 = tpu.memref_slice %arg10[%add3A_13, %dma_start3A] : memref<10240x64xf32, #tpu.memory_space<vmem_shared>> -> memref<128x64xf32, #tpu.memory_space<vmem_shared>>
      %dma_start3A_26 = arith.constant 0 : i32
      %dma_start3A_27 = tpu.memref_slice %arg10[%add3A_13, %dma_start3A_26] : memref<10240x64xf32, #tpu.memory_space<vmem_shared>> -> memref<128x64xf32, #tpu.memory_space<vmem_shared>>
      tpu.enqueue_dma source(%arg9 : memref<128x64xf32, #tpu.memory_space<vmem>>) target(%dma_start3A_27 : memref<128x64xf32, #tpu.memory_space<vmem_shared>>) target_semaphore(%run_scoped3A : memref<!tpu.dma_semaphore, #tpu.memory_space<semaphore_mem>>)
      %dma_wait3A = arith.constant 0 : i32
      %dma_wait3A_28 = tpu.memref_slice %arg10[%add3A_13, %dma_wait3A] : memref<10240x64xf32, #tpu.memory_space<vmem_shared>> -> memref<128x64xf32, #tpu.memory_space<vmem_shared>>
      %dma_wait3A_29 = arith.constant 0 : i32
      %dma_wait3A_30 = tpu.memref_slice %arg10[%add3A_13, %dma_wait3A_29] : memref<10240x64xf32, #tpu.memory_space<vmem_shared>> -> memref<128x64xf32, #tpu.memory_space<vmem_shared>>
      tpu.wait_dma2 semaphore(%run_scoped3A : memref<!tpu.dma_semaphore, #tpu.memory_space<semaphore_mem>>) src(%arg9 : memref<128x64xf32, #tpu.memory_space<vmem>>) dst(%dma_wait3A_30 : memref<128x64xf32, #tpu.memory_space<vmem_shared>>)
      tpu.yield
    }) : () -> ()
    %add3A_14 = arith.constant 384 : i32
    %add3A_15 = arith.addi %mul3A_7, %add3A_14 : i32
    "tpu.region"() ({
      %run_scoped3A = tpu.sem_alloc : memref<!tpu.dma_semaphore, #tpu.memory_space<semaphore_mem>>
      %dma_start3A = arith.constant 0 : i32
      %dma_start3A_25 = tpu.memref_slice %arg10[%add3A_15, %dma_start3A] : memref<10240x64xf32, #tpu.memory_space<vmem_shared>> -> memref<128x64xf32, #tpu.memory_space<vmem_shared>>
      %dma_start3A_26 = arith.constant 0 : i32
      %dma_start3A_27 = tpu.memref_slice %arg10[%add3A_15, %dma_start3A_26] : memref<10240x64xf32, #tpu.memory_space<vmem_shared>> -> memref<128x64xf32, #tpu.memory_space<vmem_shared>>
      tpu.enqueue_dma source(%arg9 : memref<128x64xf32, #tpu.memory_space<vmem>>) target(%dma_start3A_27 : memref<128x64xf32, #tpu.memory_space<vmem_shared>>) target_semaphore(%run_scoped3A : memref<!tpu.dma_semaphore, #tpu.memory_space<semaphore_mem>>)
      %dma_wait3A = arith.constant 0 : i32
      %dma_wait3A_28 = tpu.memref_slice %arg10[%add3A_15, %dma_wait3A] : memref<10240x64xf32, #tpu.memory_space<vmem_shared>> -> memref<128x64xf32, #tpu.memory_space<vmem_shared>>
      %dma_wait3A_29 = arith.constant 0 : i32
      %dma_wait3A_30 = tpu.memref_slice %arg10[%add3A_15, %dma_wait3A_29] : memref<10240x64xf32, #tpu.memory_space<vmem_shared>> -> memref<128x64xf32, #tpu.memory_space<vmem_shared>>
      tpu.wait_dma2 semaphore(%run_scoped3A : memref<!tpu.dma_semaphore, #tpu.memory_space<semaphore_mem>>) src(%arg9 : memref<128x64xf32, #tpu.memory_space<vmem>>) dst(%dma_wait3A_30 : memref<128x64xf32, #tpu.memory_space<vmem_shared>>)
      tpu.yield
    }) : () -> ()
    %add3A_16 = arith.constant 512 : i32
    %add3A_17 = arith.addi %mul3A_7, %add3A_16 : i32
    "tpu.region"() ({
      %run_scoped3A = tpu.sem_alloc : memref<!tpu.dma_semaphore, #tpu.memory_space<semaphore_mem>>
      %dma_start3A = arith.constant 0 : i32
      %dma_start3A_25 = tpu.memref_slice %arg10[%add3A_17, %dma_start3A] : memref<10240x64xf32, #tpu.memory_space<vmem_shared>> -> memref<128x64xf32, #tpu.memory_space<vmem_shared>>
      %dma_start3A_26 = arith.constant 0 : i32
      %dma_start3A_27 = tpu.memref_slice %arg10[%add3A_17, %dma_start3A_26] : memref<10240x64xf32, #tpu.memory_space<vmem_shared>> -> memref<128x64xf32, #tpu.memory_space<vmem_shared>>
      tpu.enqueue_dma source(%arg9 : memref<128x64xf32, #tpu.memory_space<vmem>>) target(%dma_start3A_27 : memref<128x64xf32, #tpu.memory_space<vmem_shared>>) target_semaphore(%run_scoped3A : memref<!tpu.dma_semaphore, #tpu.memory_space<semaphore_mem>>)
      %dma_wait3A = arith.constant 0 : i32
      %dma_wait3A_28 = tpu.memref_slice %arg10[%add3A_17, %dma_wait3A] : memref<10240x64xf32, #tpu.memory_space<vmem_shared>> -> memref<128x64xf32, #tpu.memory_space<vmem_shared>>
      %dma_wait3A_29 = arith.constant 0 : i32
      %dma_wait3A_30 = tpu.memref_slice %arg10[%add3A_17, %dma_wait3A_29] : memref<10240x64xf32, #tpu.memory_space<vmem_shared>> -> memref<128x64xf32, #tpu.memory_space<vmem_shared>>
      tpu.wait_dma2 semaphore(%run_scoped3A : memref<!tpu.dma_semaphore, #tpu.memory_space<semaphore_mem>>) src(%arg9 : memref<128x64xf32, #tpu.memory_space<vmem>>) dst(%dma_wait3A_30 : memref<128x64xf32, #tpu.memory_space<vmem_shared>>)
      tpu.yield
    }) : () -> ()
    %barrier3A = arith.constant 0 : index
    tpu.barrier barrier_id(%barrier3A)
    %scan3A_18 = arith.constant 0 : i32
    %scan3A_19 = arith.constant 0 : i32
    %scan3A_20 = arith.constant 79 : i32
    %scan3A_21 = arith.addi %scan3A_19, %scan3A_20 : i32
    %scan3A_22 = arith.constant 1 : i32
    scf.for %scan3A_25 = %scan3A_19 to %scan3A_21 step %scan3A_22  : i32 {
      %dma_start3A = arith.constant 0 : i32
      %dma_start3A_26 = tpu.memref_slice %arg6[%scan3A_25, %dma_start3A] : memref<79x128xi32, #tpu.memory_space<vmem>> -> memref<1x128xi32, #tpu.memory_space<vmem>>
      %dma_start3A_27 = tpu.memref_squeeze %dma_start3A_26 : memref<1x128xi32, #tpu.memory_space<vmem>> -> memref<128xi32, #tpu.memory_space<vmem>>
      %dma_start3A_28 = arith.constant 0 : i32
      %dma_start3A_29 = arith.constant 0 : i32
      %dma_start3A_30 = tpu.memref_slice %arg2[%dma_start3A_28, %dma_start3A_29] : memref<10240x64xf32, #tpu.memory_space<hbm>> -> memref<10240x64xf32, #tpu.memory_space<hbm>>
      tpu.enqueue_indirect_dma source(%dma_start3A_30 : memref<10240x64xf32, #tpu.memory_space<hbm>>) target(%arg8 : memref<128x64xf32, #tpu.memory_space<vmem>>) offsets(%dma_start3A_27 : memref<128xi32, #tpu.memory_space<vmem>>) semaphore(%arg11 : memref<!tpu.dma_semaphore, #tpu.memory_space<semaphore_mem>>)
      %dma_wait3A = arith.constant 0 : i32
      %dma_wait3A_31 = tpu.memref_slice %arg6[%scan3A_25, %dma_wait3A] : memref<79x128xi32, #tpu.memory_space<vmem>> -> memref<1x128xi32, #tpu.memory_space<vmem>>
      %dma_wait3A_32 = tpu.memref_squeeze %dma_wait3A_31 : memref<1x128xi32, #tpu.memory_space<vmem>> -> memref<128xi32, #tpu.memory_space<vmem>>
      %dma_wait3A_33 = arith.constant 0 : i32
      %dma_wait3A_34 = arith.constant 0 : i32
      %dma_wait3A_35 = tpu.memref_slice %arg2[%dma_wait3A_33, %dma_wait3A_34] : memref<10240x64xf32, #tpu.memory_space<hbm>> -> memref<10240x64xf32, #tpu.memory_space<hbm>>
      tpu.wait_indirect_dma semaphore(%arg11 : memref<!tpu.dma_semaphore, #tpu.memory_space<semaphore_mem>>) src(%dma_wait3A_35 : memref<10240x64xf32, #tpu.memory_space<hbm>>) dst(%arg8 : memref<128x64xf32, #tpu.memory_space<vmem>>)
      "tpu.region"() ({
        %run_scoped3A = tpu.sem_alloc : memref<!tpu.dma_semaphore, #tpu.memory_space<semaphore_mem>>
        %dma_start3A_36 = arith.constant 0 : i32
        %dma_start3A_37 = tpu.memref_slice %arg7[%scan3A_25, %dma_start3A_36] : memref<79x128xi32, #tpu.memory_space<vmem>> -> memref<1x128xi32, #tpu.memory_space<vmem>>
        %dma_start3A_38 = tpu.memref_squeeze %dma_start3A_37 : memref<1x128xi32, #tpu.memory_space<vmem>> -> memref<128xi32, #tpu.memory_space<vmem>>
        %dma_start3A_39 = arith.constant 0 : i32
        %dma_start3A_40 = arith.constant 0 : i32
        %dma_start3A_41 = tpu.memref_slice %arg10[%dma_start3A_39, %dma_start3A_40] : memref<10240x64xf32, #tpu.memory_space<vmem_shared>> -> memref<10240x64xf32, #tpu.memory_space<vmem_shared>>
        tpu.enqueue_indirect_dma source(%arg8 : memref<128x64xf32, #tpu.memory_space<vmem>>) target(%dma_start3A_41 : memref<10240x64xf32, #tpu.memory_space<vmem_shared>>) offsets(%dma_start3A_38 : memref<128xi32, #tpu.memory_space<vmem>>) semaphore(%run_scoped3A : memref<!tpu.dma_semaphore, #tpu.memory_space<semaphore_mem>>) {add = true}
        %dma_wait3A_42 = arith.constant 0 : i32
        %dma_wait3A_43 = tpu.memref_slice %arg7[%scan3A_25, %dma_wait3A_42] : memref<79x128xi32, #tpu.memory_space<vmem>> -> memref<1x128xi32, #tpu.memory_space<vmem>>
        %dma_wait3A_44 = tpu.memref_squeeze %dma_wait3A_43 : memref<1x128xi32, #tpu.memory_space<vmem>> -> memref<128xi32, #tpu.memory_space<vmem>>
        %dma_wait3A_45 = arith.constant 0 : i32
        %dma_wait3A_46 = arith.constant 0 : i32
        %dma_wait3A_47 = tpu.memref_slice %arg10[%dma_wait3A_45, %dma_wait3A_46] : memref<10240x64xf32, #tpu.memory_space<vmem_shared>> -> memref<10240x64xf32, #tpu.memory_space<vmem_shared>>
        tpu.wait_indirect_dma semaphore(%run_scoped3A : memref<!tpu.dma_semaphore, #tpu.memory_space<semaphore_mem>>) src(%arg8 : memref<128x64xf32, #tpu.memory_space<vmem>>) dst(%dma_wait3A_47 : memref<10240x64xf32, #tpu.memory_space<vmem_shared>>)
        tpu.yield
      }) : () -> ()
    }
    %scan3A_23 = arith.constant 79 : i32
    %barrier3A_24 = arith.constant 0 : index
    tpu.barrier barrier_id(%barrier3A_24)
    "tpu.region"() ({
      %run_scoped3A = tpu.sem_alloc : memref<!tpu.dma_semaphore, #tpu.memory_space<semaphore_mem>>
      %dma_start3A = arith.constant 0 : i32
      %dma_start3A_25 = tpu.memref_slice %arg5[%arg0, %mul3A_7, %dma_start3A] : memref<2x10240x64xf32, #tpu.memory_space<hbm>> -> memref<1x640x64xf32, #tpu.memory_space<hbm>>
      %dma_start3A_26 = tpu.memref_squeeze %dma_start3A_25 : memref<1x640x64xf32, #tpu.memory_space<hbm>> -> memref<640x64xf32, #tpu.memory_space<hbm>>
      %dma_start3A_27 = arith.constant 0 : i32
      %dma_start3A_28 = tpu.memref_slice %arg10[%mul3A_7, %dma_start3A_27] : memref<10240x64xf32, #tpu.memory_space<vmem_shared>> -> memref<640x64xf32, #tpu.memory_space<vmem_shared>>
      tpu.enqueue_dma source(%dma_start3A_28 : memref<640x64xf32, #tpu.memory_space<vmem_shared>>) target(%dma_start3A_26 : memref<640x64xf32, #tpu.memory_space<hbm>>) target_semaphore(%run_scoped3A : memref<!tpu.dma_semaphore, #tpu.memory_space<semaphore_mem>>)
      %dma_wait3A = arith.constant 0 : i32
      %dma_wait3A_29 = tpu.memref_slice %arg5[%arg0, %mul3A_7, %dma_wait3A] : memref<2x10240x64xf32, #tpu.memory_space<hbm>> -> memref<1x640x64xf32, #tpu.memory_space<hbm>>
      %dma_wait3A_30 = tpu.memref_squeeze %dma_wait3A_29 : memref<1x640x64xf32, #tpu.memory_space<hbm>> -> memref<640x64xf32, #tpu.memory_space<hbm>>
      %dma_wait3A_31 = arith.constant 0 : i32
      %dma_wait3A_32 = tpu.memref_slice %arg10[%mul3A_7, %dma_wait3A_31] : memref<10240x64xf32, #tpu.memory_space<vmem_shared>> -> memref<640x64xf32, #tpu.memory_space<vmem_shared>>
      tpu.wait_dma2 semaphore(%run_scoped3A : memref<!tpu.dma_semaphore, #tpu.memory_space<semaphore_mem>>) src(%dma_wait3A_32 : memref<640x64xf32, #tpu.memory_space<vmem_shared>>) dst(%dma_wait3A_30 : memref<640x64xf32, #tpu.memory_space<hbm>>)
      tpu.yield
    }) : () -> ()
    return
  }
}

module attributes {stable_mosaic.version = 14 : i64} {
  func.func @_tc_a_body(%arg0: memref<10240x128xf32, #tpu.memory_space<vmem>>, %arg1: memref<128x64xf32, #tpu.memory_space<vmem>>, %arg2: memref<2x10240x1xf32, #tpu.memory_space<vmem>>, %arg3: memref<10240x64xf32, #tpu.memory_space<vmem>>) attributes {dimension_semantics = [], scalar_prefetch = 0 : i64, scratch_operands = 0 : i64, tpu.core_type = #tpu.core_type<tc>} {
    %get3A = arith.constant 0 : index
    %get3A_0 = arith.constant 0 : index
    %get3A_1 = vector.load %arg0[%get3A, %get3A_0] : memref<10240x128xf32, #tpu.memory_space<vmem>>, vector<10240x128xf32>
    %get3A_2 = arith.constant 0 : index
    %get3A_3 = arith.constant 0 : index
    %get3A_4 = vector.load %arg1[%get3A_2, %get3A_3] : memref<128x64xf32, #tpu.memory_space<vmem>>, vector<128x64xf32>
    %dot_general3A = arith.constant dense<0.000000e+00> : vector<10240x64xf32>
    %dot_general3A_5 = tpu.matmul %get3A_1, %get3A_4, %dot_general3A {dimension_numbers = #tpu.dot_dimension_numbers<[1], [0], [0], [1], [0, 0, 1, 1], [], []>, transpose_lhs_hint = false} : vector<10240x128xf32>, vector<128x64xf32>, vector<10240x64xf32> -> vector<10240x64xf32>
    %get3A_6 = arith.constant 0 : index
    %get3A_7 = arith.constant 0 : index
    %get3A_8 = arith.constant 0 : index
    %get3A_9 = vector.load %arg2[%get3A_6, %get3A_7, %get3A_8] : memref<2x10240x1xf32, #tpu.memory_space<vmem>>, vector<1x10240x1xf32>
    %get3A_10 = vector.shape_cast %get3A_9 : vector<1x10240x1xf32> to vector<10240x1xf32>
    %get3A_11 = arith.constant 1 : index
    %get3A_12 = arith.constant 0 : index
    %get3A_13 = arith.constant 0 : index
    %get3A_14 = vector.load %arg2[%get3A_11, %get3A_12, %get3A_13] : memref<2x10240x1xf32, #tpu.memory_space<vmem>>, vector<1x10240x1xf32>
    %get3A_15 = vector.shape_cast %get3A_14 : vector<1x10240x1xf32> to vector<10240x1xf32>
    %add3A = arith.addf %get3A_10, %get3A_15 : vector<10240x1xf32>
    %add3A_16 = arith.constant 1.000000e+00 : f32
    %add3A_17 = vector.broadcast %add3A_16 : f32 to vector<10240x1xf32>
    %add3A_18 = arith.addf %add3A, %add3A_17 : vector<10240x1xf32>
    %max3A = arith.constant 1.000000e+00 : f32
    %max3A_19 = vector.broadcast %max3A : f32 to vector<10240x1xf32>
    %max3A_20 = arith.maximumf %add3A_18, %max3A_19 : vector<10240x1xf32>
    %rsqrt3A = math.rsqrt %max3A_20 : vector<10240x1xf32>
    %mul3A = vector.broadcast %rsqrt3A : vector<10240x1xf32> to vector<10240x64xf32>
    %mul3A_21 = arith.mulf %dot_general3A_5, %mul3A : vector<10240x64xf32>
    %swap3A = arith.constant 0 : index
    %swap3A_22 = arith.constant 0 : index
    %swap3A_23 = vector.load %arg3[%swap3A, %swap3A_22] : memref<10240x64xf32, #tpu.memory_space<vmem>>, vector<10240x64xf32>
    tpu.vector_store %arg3[%swap3A, %swap3A_22], %mul3A_21 {strides = array<i32>} : memref<10240x64xf32, #tpu.memory_space<vmem>>, vector<10240x64xf32>,
    return
  }
}

module attributes {stable_mosaic.version = 14 : i64} {
  func.func @_tc_b_body(%arg0: memref<2x10240x64xf32, #tpu.memory_space<vmem>>, %arg1: memref<10240x64xf32, #tpu.memory_space<vmem>>, %arg2: memref<2x10240x1xf32, #tpu.memory_space<vmem>>, %arg3: memref<1x64xf32, #tpu.memory_space<vmem>>, %arg4: memref<64x64xf32, #tpu.memory_space<vmem>>, %arg5: memref<10240x64xf32, #tpu.memory_space<vmem>>) attributes {dimension_semantics = [], scalar_prefetch = 0 : i64, scratch_operands = 0 : i64, tpu.core_type = #tpu.core_type<tc>} {
    %get3A = arith.constant 0 : index
    %get3A_0 = arith.constant 0 : index
    %get3A_1 = arith.constant 0 : index
    %get3A_2 = vector.load %arg2[%get3A, %get3A_0, %get3A_1] : memref<2x10240x1xf32, #tpu.memory_space<vmem>>, vector<1x10240x1xf32>
    %get3A_3 = vector.shape_cast %get3A_2 : vector<1x10240x1xf32> to vector<10240x1xf32>
    %get3A_4 = arith.constant 1 : index
    %get3A_5 = arith.constant 0 : index
    %get3A_6 = arith.constant 0 : index
    %get3A_7 = vector.load %arg2[%get3A_4, %get3A_5, %get3A_6] : memref<2x10240x1xf32, #tpu.memory_space<vmem>>, vector<1x10240x1xf32>
    %get3A_8 = vector.shape_cast %get3A_7 : vector<1x10240x1xf32> to vector<10240x1xf32>
    %add3A = arith.addf %get3A_3, %get3A_8 : vector<10240x1xf32>
    %add3A_9 = arith.constant 1.000000e+00 : f32
    %add3A_10 = vector.broadcast %add3A_9 : f32 to vector<10240x1xf32>
    %add3A_11 = arith.addf %add3A, %add3A_10 : vector<10240x1xf32>
    %max3A = arith.constant 1.000000e+00 : f32
    %max3A_12 = vector.broadcast %max3A : f32 to vector<10240x1xf32>
    %max3A_13 = arith.maximumf %add3A_11, %max3A_12 : vector<10240x1xf32>
    %rsqrt3A = math.rsqrt %max3A_13 : vector<10240x1xf32>
    %get3A_14 = arith.constant 0 : index
    %get3A_15 = arith.constant 0 : index
    %get3A_16 = arith.constant 0 : index
    %get3A_17 = vector.load %arg0[%get3A_14, %get3A_15, %get3A_16] : memref<2x10240x64xf32, #tpu.memory_space<vmem>>, vector<1x10240x64xf32>
    %get3A_18 = vector.shape_cast %get3A_17 : vector<1x10240x64xf32> to vector<10240x64xf32>
    %get3A_19 = arith.constant 1 : index
    %get3A_20 = arith.constant 0 : index
    %get3A_21 = arith.constant 0 : index
    %get3A_22 = vector.load %arg0[%get3A_19, %get3A_20, %get3A_21] : memref<2x10240x64xf32, #tpu.memory_space<vmem>>, vector<1x10240x64xf32>
    %get3A_23 = vector.shape_cast %get3A_22 : vector<1x10240x64xf32> to vector<10240x64xf32>
    %add3A_24 = arith.addf %get3A_18, %get3A_23 : vector<10240x64xf32>
    %get3A_25 = arith.constant 0 : index
    %get3A_26 = arith.constant 0 : index
    %get3A_27 = vector.load %arg1[%get3A_25, %get3A_26] : memref<10240x64xf32, #tpu.memory_space<vmem>>, vector<10240x64xf32>
    %add3A_28 = arith.addf %add3A_24, %get3A_27 : vector<10240x64xf32>
    %mul3A = vector.broadcast %rsqrt3A : vector<10240x1xf32> to vector<10240x64xf32>
    %mul3A_29 = arith.mulf %mul3A, %add3A_28 : vector<10240x64xf32>
    %get3A_30 = arith.constant 0 : index
    %get3A_31 = arith.constant 0 : index
    %get3A_32 = vector.load %arg3[%get3A_30, %get3A_31] : memref<1x64xf32, #tpu.memory_space<vmem>>, vector<1x64xf32>
    %add3A_33 = vector.broadcast %get3A_32 : vector<1x64xf32> to vector<10240x64xf32>
    %add3A_34 = arith.addf %mul3A_29, %add3A_33 : vector<10240x64xf32>
    %max3A_35 = arith.constant 0.000000e+00 : f32
    %max3A_36 = vector.broadcast %max3A_35 : f32 to vector<10240x64xf32>
    %max3A_37 = arith.maximumf %add3A_34, %max3A_36 : vector<10240x64xf32>
    %get3A_38 = arith.constant 0 : index
    %get3A_39 = arith.constant 0 : index
    %get3A_40 = vector.load %arg4[%get3A_38, %get3A_39] : memref<64x64xf32, #tpu.memory_space<vmem>>, vector<64x64xf32>
    %dot_general3A = arith.constant dense<0.000000e+00> : vector<10240x64xf32>
    %dot_general3A_41 = tpu.matmul %max3A_37, %get3A_40, %dot_general3A {dimension_numbers = #tpu.dot_dimension_numbers<[1], [0], [0], [1], [0, 0, 1, 1], [], []>, transpose_lhs_hint = false} : vector<10240x64xf32>, vector<64x64xf32>, vector<10240x64xf32> -> vector<10240x64xf32>
    %mul3A_42 = vector.broadcast %rsqrt3A : vector<10240x1xf32> to vector<10240x64xf32>
    %mul3A_43 = arith.mulf %dot_general3A_41, %mul3A_42 : vector<10240x64xf32>
    %swap3A = arith.constant 0 : index
    %swap3A_44 = arith.constant 0 : index
    %swap3A_45 = vector.load %arg5[%swap3A, %swap3A_44] : memref<10240x64xf32, #tpu.memory_space<vmem>>, vector<10240x64xf32>
    tpu.vector_store %arg5[%swap3A, %swap3A_44], %mul3A_43 {strides = array<i32>} : memref<10240x64xf32, #tpu.memory_space<vmem>>, vector<10240x64xf32>,
    return
  }
}

module attributes {stable_mosaic.version = 14 : i64} {
  func.func @_tc_c_body(%arg0: memref<2x10240x64xf32, #tpu.memory_space<vmem>>, %arg1: memref<10240x64xf32, #tpu.memory_space<vmem>>, %arg2: memref<2x10240x1xf32, #tpu.memory_space<vmem>>, %arg3: memref<1x64xf32, #tpu.memory_space<vmem>>, %arg4: memref<1x10240xi32, #tpu.memory_space<vmem>>, %arg5: memref<64x2xf32, #tpu.memory_space<vmem>>, %arg6: memref<1x2xf32, #tpu.memory_space<vmem>>, %arg7: memref<64x2xf32, #tpu.memory_space<vmem>>) attributes {dimension_semantics = [], scalar_prefetch = 0 : i64, scratch_operands = 0 : i64, tpu.core_type = #tpu.core_type<tc>} {
    %get3A = arith.constant 0 : index
    %get3A_0 = arith.constant 0 : index
    %get3A_1 = arith.constant 0 : index
    %get3A_2 = vector.load %arg2[%get3A, %get3A_0, %get3A_1] : memref<2x10240x1xf32, #tpu.memory_space<vmem>>, vector<1x10240x1xf32>
    %get3A_3 = vector.shape_cast %get3A_2 : vector<1x10240x1xf32> to vector<10240x1xf32>
    %get3A_4 = arith.constant 1 : index
    %get3A_5 = arith.constant 0 : index
    %get3A_6 = arith.constant 0 : index
    %get3A_7 = vector.load %arg2[%get3A_4, %get3A_5, %get3A_6] : memref<2x10240x1xf32, #tpu.memory_space<vmem>>, vector<1x10240x1xf32>
    %get3A_8 = vector.shape_cast %get3A_7 : vector<1x10240x1xf32> to vector<10240x1xf32>
    %add3A = arith.addf %get3A_3, %get3A_8 : vector<10240x1xf32>
    %add3A_9 = arith.constant 1.000000e+00 : f32
    %add3A_10 = vector.broadcast %add3A_9 : f32 to vector<10240x1xf32>
    %add3A_11 = arith.addf %add3A, %add3A_10 : vector<10240x1xf32>
    %max3A = arith.constant 1.000000e+00 : f32
    %max3A_12 = vector.broadcast %max3A : f32 to vector<10240x1xf32>
    %max3A_13 = arith.maximumf %add3A_11, %max3A_12 : vector<10240x1xf32>
    %rsqrt3A = math.rsqrt %max3A_13 : vector<10240x1xf32>
    %get3A_14 = arith.constant 0 : index
    %get3A_15 = arith.constant 0 : index
    %get3A_16 = arith.constant 0 : index
    %get3A_17 = vector.load %arg0[%get3A_14, %get3A_15, %get3A_16] : memref<2x10240x64xf32, #tpu.memory_space<vmem>>, vector<1x10240x64xf32>
    %get3A_18 = vector.shape_cast %get3A_17 : vector<1x10240x64xf32> to vector<10240x64xf32>
    %get3A_19 = arith.constant 1 : index
    %get3A_20 = arith.constant 0 : index
    %get3A_21 = arith.constant 0 : index
    %get3A_22 = vector.load %arg0[%get3A_19, %get3A_20, %get3A_21] : memref<2x10240x64xf32, #tpu.memory_space<vmem>>, vector<1x10240x64xf32>
    %get3A_23 = vector.shape_cast %get3A_22 : vector<1x10240x64xf32> to vector<10240x64xf32>
    %add3A_24 = arith.addf %get3A_18, %get3A_23 : vector<10240x64xf32>
    %get3A_25 = arith.constant 0 : index
    %get3A_26 = arith.constant 0 : index
    %get3A_27 = vector.load %arg1[%get3A_25, %get3A_26] : memref<10240x64xf32, #tpu.memory_space<vmem>>, vector<10240x64xf32>
    %add3A_28 = arith.addf %add3A_24, %get3A_27 : vector<10240x64xf32>
    %mul3A = vector.broadcast %rsqrt3A : vector<10240x1xf32> to vector<10240x64xf32>
    %mul3A_29 = arith.mulf %mul3A, %add3A_28 : vector<10240x64xf32>
    %get3A_30 = arith.constant 0 : index
    %get3A_31 = arith.constant 0 : index
    %get3A_32 = vector.load %arg3[%get3A_30, %get3A_31] : memref<1x64xf32, #tpu.memory_space<vmem>>, vector<1x64xf32>
    %add3A_33 = vector.broadcast %get3A_32 : vector<1x64xf32> to vector<10240x64xf32>
    %add3A_34 = arith.addf %mul3A_29, %add3A_33 : vector<10240x64xf32>
    %get3A_35 = arith.constant 0 : index
    %get3A_36 = arith.constant 0 : index
    %get3A_37 = vector.load %arg4[%get3A_35, %get3A_36] : memref<1x10240xi32, #tpu.memory_space<vmem>>, vector<1x10240xi32>
    %broadcast_in_dim3A = vector.shape_cast %get3A_37 : vector<1x10240xi32> to vector<1x10240xi32>
    %broadcast_in_dim3A_38 = vector.broadcast %broadcast_in_dim3A : vector<1x10240xi32> to vector<64x10240xi32>
    %iota3A = tpu.iota {dimensions = array<i32: 0>} : vector<64x10240xi32>
    %eq3A = arith.cmpi eq, %broadcast_in_dim3A_38, %iota3A : vector<64x10240xi32>
    %convert_element_type3A = arith.extui %eq3A : vector<64x10240xi1> to vector<64x10240xi32>
    %convert_element_type3A_39 = arith.sitofp %convert_element_type3A : vector<64x10240xi32> to vector<64x10240xf32>
    %dot_general3A = arith.constant dense<0.000000e+00> : vector<64x64xf32>
    %dot_general3A_40 = tpu.matmul %convert_element_type3A_39, %add3A_34, %dot_general3A {dimension_numbers = #tpu.dot_dimension_numbers<[1], [0], [0], [1], [0, 0, 1, 1], [], []>, transpose_lhs_hint = false} : vector<64x10240xf32>, vector<10240x64xf32>, vector<64x64xf32> -> vector<64x64xf32>
    %reduce_sum3A = arith.constant dense<0.000000e+00> : vector<64xf32>
    %reduce_sum3A_41 = vector.multi_reduction <add>, %convert_element_type3A_39, %reduce_sum3A [1] : vector<64x10240xf32> to vector<64xf32>
    %broadcast_in_dim3A_42 = vector.shape_cast %reduce_sum3A_41 : vector<64xf32> to vector<64x1xf32>
    %max3A_43 = arith.constant 1.000000e+00 : f32
    %max3A_44 = vector.broadcast %max3A_43 : f32 to vector<64x1xf32>
    %max3A_45 = arith.maximumf %broadcast_in_dim3A_42, %max3A_44 : vector<64x1xf32>
    %div3A = vector.broadcast %max3A_45 : vector<64x1xf32> to vector<64x64xf32>
    %div3A_46 = arith.divf %dot_general3A_40, %div3A : vector<64x64xf32>
    %get3A_47 = arith.constant 0 : index
    %get3A_48 = arith.constant 0 : index
    %get3A_49 = vector.load %arg5[%get3A_47, %get3A_48] : memref<64x2xf32, #tpu.memory_space<vmem>>, vector<64x2xf32>
    %dot_general3A_50 = arith.constant dense<0.000000e+00> : vector<64x2xf32>
    %dot_general3A_51 = tpu.matmul %div3A_46, %get3A_49, %dot_general3A_50 {dimension_numbers = #tpu.dot_dimension_numbers<[1], [0], [0], [1], [0, 0, 1, 1], [], []>, transpose_lhs_hint = false} : vector<64x64xf32>, vector<64x2xf32>, vector<64x2xf32> -> vector<64x2xf32>
    %get3A_52 = arith.constant 0 : index
    %get3A_53 = arith.constant 0 : index
    %get3A_54 = vector.load %arg6[%get3A_52, %get3A_53] : memref<1x2xf32, #tpu.memory_space<vmem>>, vector<1x2xf32>
    %add3A_55 = vector.broadcast %get3A_54 : vector<1x2xf32> to vector<64x2xf32>
    %add3A_56 = arith.addf %dot_general3A_51, %add3A_55 : vector<64x2xf32>
    %reduce_max3A = arith.constant dense<0xFF800000> : vector<64xf32>
    %reduce_max3A_57 = vector.multi_reduction <maximumf>, %add3A_56, %reduce_max3A [1] : vector<64x2xf32> to vector<64xf32>
    %broadcast_in_dim3A_58 = vector.shape_cast %reduce_max3A_57 : vector<64xf32> to vector<64x1xf32>
    %sub3A = vector.broadcast %broadcast_in_dim3A_58 : vector<64x1xf32> to vector<64x2xf32>
    %sub3A_59 = arith.subf %add3A_56, %sub3A : vector<64x2xf32>
    %exp3A = math.exp %sub3A_59 : vector<64x2xf32>
    %reduce_sum3A_60 = arith.constant dense<0.000000e+00> : vector<64xf32>
    %reduce_sum3A_61 = vector.multi_reduction <add>, %exp3A, %reduce_sum3A_60 [1] : vector<64x2xf32> to vector<64xf32>
    %broadcast_in_dim3A_62 = vector.shape_cast %reduce_sum3A_61 : vector<64xf32> to vector<64x1xf32>
    %log3A = math.log %broadcast_in_dim3A_62 : vector<64x1xf32>
    %sub3A_63 = vector.broadcast %log3A : vector<64x1xf32> to vector<64x2xf32>
    %sub3A_64 = arith.subf %sub3A_59, %sub3A_63 : vector<64x2xf32>
    %swap3A = arith.constant 0 : index
    %swap3A_65 = arith.constant 0 : index
    %swap3A_66 = vector.load %arg7[%swap3A, %swap3A_65] : memref<64x2xf32, #tpu.memory_space<vmem>>, vector<64x2xf32>
    tpu.vector_store %arg7[%swap3A, %swap3A_65], %sub3A_64 {strides = array<i32>} : memref<64x2xf32, #tpu.memory_space<vmem>>, vector<64x2xf32>,
    return
  }
}

</mosaic_0001>

<sc_bundles>
// kernel: kernel.11.cloned.1.call-start
scs
__scs_entry_jumppad:
0x0: {  	(pc) =	sbr.rel $0x88, $3  }
0x1: {  	(tag) =	ssettag $0x0;
	lr =	simm.s32 $0x1  }
0x2: {  	[smem:$0x3F98] =	sst lr;
	_ =	strace $0xD0000000  }
0x3: {  	_ = 	snop  }
0x4: {  	_ = 	snop  }
0x5: {  	_ = 	snop  }
0x6: {  	_ = 	snop  }
0x7: {  	_ = 	snop  }
__scs_overlays_trampoline_lowered:
0x8: {  	[smem:$0x3FA7] =	sst s0  }
0x9: {  	[smem:$0x3FA8] =	sst s1  }
0xa: {  	[smem:$0x3FA9] =	sst s2  }
0xb: {  	[smem:$0x3FAA] =	sst s3  }
0xc: {  	[smem:$0x3FAB] =	sst s4  }
0xd: {  	[smem:$0x3FAC] =	sst s5  }
0xe: {  	[smem:$0x3FAD] =	sst s6  }
0xf: {  	[smem:$0x3FAE] =	sst s7  }
0x10: {  	[smem:$0x3FAF] =	sst s8  }
0x11: {  	[smem:$0x3FB0] =	sst s9;
	s0 =	simm.s32 @!p0 $0x0  }
0x12: {  	s1 =	sld [smem:$0x3F96];
	s0 =	simm.s32 @p0 $0x1  }
0x13: {  	[smem:$0x3FB1] =	sst s0;
	s0 =	simm.s32 @!p1 $0x0  }
0x14: {  	s2 =	sld [smem:$0x3F95];
	s0 =	simm.s32 @p1 $0x1  }
0x15: {  	[smem:$0x3FB2] =	sst s0;
	s0 =	simm.s32 @!p2 $0x0  }
0x16: {  	s3 =	sld [smem:$0x3FDB];
	s0 =	simm.s32 @p2 $0x1  }
0x17: {  	s4 =	simm.s32 $0x1BF5;
	[smem:$0x3FB4] =	sst s0  }
0x18: {  	s0 =	sld [smem:$0x3F97];
	_ =	swait.ge [sflag:s4], $0x0  }
0x19: {  	s7 =	sld [smem:$0x3F98]  }
0x1a: {  	s8 =	sadd.s32 $0xFFFFE003, lr  }
0x1b: {  	s9 =	sadd.s32 $0xFFFFFEF7, lr;
	s5 =	simm.s32 $0xFFFFFFFF;
	p2 =	slt.u32 s8, $0xFFFFF086  }
0x1c: {  	p1 =	slt.u32 s9, $0xF7A;
	s5 =	simm.s32 @!p2 $0x0  }
0x1d: {  	s5 =	simm.s32 @p1 $0x1;
	p0 =	seq.s32 s7, s2  }
0x1e: {  	s7 =	smul.u32 @!p0 $0xF7A, s2;
	p2 =	seq.s32 @!p0 s5, $0x0  }
0x1f: {  	s9 =	smul.u32 $0xF7A, s1;
	s8 =	simm.s32 @!p0 $0x1BF5;
	p2 =	por !p2, p0  }
0x20: {  	[sflag:s8] =	ssyncset.s32 @!p0 $0xFFFFF086;
	s6 =	sadd.s32 @!p0 s3, s7;
	s7 =	simm.s32 @!p0 $0x108  }
0x21: {  	s3 =	sadd.s32 s3, s9;
	s6 =	sadd.s32 @!p0 $0x88, s6;
	s7 =	simm.s32 @p2 $0x1082  }
0x22: {  	[simem:s7], [sflag:s8] =	dma.local @!p0 [hbm:s6], $0xF7A  }
0x23: {  	s9 =	sor.u32 $0xD0000000, s2;
	s6 =	simm.s32 $0x108;
	_ =	swait.ge @!p0 [sflag:s8], $0x0  }
0x24: {  	s3 =	sadd.s32 $0x88, s3;
	s6 =	simm.s32 @!p1 $0x1082;
	[sflag:s4] =	ssyncset.s32 $0xFFFFF086  }
0x25: {  	[simem:s6], [sflag:s4] =	dma.local [hbm:s3], $0xF7A  }
0x26: {  	[smem:$0x3F98] =	sst s1;
	(tag) =	ssettag s2;
	_ =	strace s9  }
0x27: {  	s1 =	sld [smem:$0x3FA8]  }
0x28: {  	s2 =	sld [smem:$0x3FA9]  }
0x29: {  	s4 =	sld [smem:$0x3FAB]  }
0x2a: {  	p0 =	seq.s32 s5, $0x0;
	s5 =	sld [smem:$0x3FAC]  }
0x2b: {  	s6 =	sld [smem:$0x3FAD]  }
0x2c: {  	s7 =	sld [smem:$0x3FAE]  }
0x2d: {  	s3 =	simm.s32 $0x108;
	s8 =	sld [smem:$0x3FAF]  }
0x2e: {  	s3 =	simm.s32 @!p0 $0x1082;
	s9 =	sld [smem:$0x3FB0]  }
0x2f: {  	lr =	sadd.s32 s0, s3;
	s0 =	sld [smem:$0x3FA7]  }
0x30: {  	s3 =	sld [smem:$0x3FAA]  }
0x31: {  	[smem:$0x3FB3] =	sst s10  }
0x32: {  	s10 =	sld [smem:$0x3FB1];
	_ =	sdelay $0x3  }
0x33: {  	p0 =	seq.s32 s10, $0x1;
	s10 =	sld [smem:$0x3FB3];
	_ =	sdelay $0x3  }
0x34: {  	[smem:$0x3FB3] =	sst s10  }
0x35: {  	s10 =	sld [smem:$0x3FB2];
	_ =	sdelay $0x3  }
0x36: {  	p1 =	seq.s32 s10, $0x1;
	s10 =	sld [smem:$0x3FB3];
	_ =	sdelay $0x3  }
0x37: {  	[smem:$0x3FB3] =	sst s10  }
0x38: {  	s10 =	sld [smem:$0x3FB4]  }
0x39: {  	_ = 	snop;
	(pc) =	sbr.ind lr, $3  }
0x3a: {  	_ = 	snop  }
0x3b: {  	_ = 	snop  }
0x3c: {  	p2 =	seq.s32 s10, $0x1;
	s10 =	sld [smem:$0x3FB3]  }
0x3d: {  	_ =	shalt  }
0x3e: {  	_ =	shalt  }
0x3f: {  	_ =	shalt  }
0x40: {  	_ =	shalt  }
0x41: {  	_ =	shalt  }
0x42: {  	_ =	shalt  }
0x43: {  	_ =	shalt  }
0x44: {  	_ =	shalt  }
0x45: {  	_ =	shalt  }
0x46: {  	_ =	shalt  }
0x47: {  	_ =	shalt  }
0x48: {  	_ =	shalt  }
0x49: {  	_ =	shalt  }
0x4a: {  	_ =	shalt  }
0x4b: {  	_ =	shalt  }
0x4c: {  	_ =	shalt  }
0x4d: {  	_ =	shalt  }
0x4e: {  	_ =	shalt  }
0x4f: {  	_ =	shalt  }
0x50: {  	_ =	shalt  }
0x51: {  	_ =	shalt  }
0x52: {  	_ =	shalt  }
0x53: {  	_ =	shalt  }
0x54: {  	_ =	shalt  }
0x55: {  	_ =	shalt  }
0x56: {  	_ =	shalt  }
0x57: {  	_ =	shalt  }
0x58: {  	_ =	shalt  }
0x59: {  	_ =	shalt  }
0x5a: {  	_ =	shalt  }
0x5b: {  	_ =	shalt  }
0x5c: {  	_ =	shalt  }
0x5d: {  	_ =	shalt  }
0x5e: {  	_ =	shalt  }
0x5f: {  	_ =	shalt  }
0x60: {  	_ =	shalt  }
0x61: {  	_ =	shalt  }
0x62: {  	_ =	shalt  }
0x63: {  	_ =	shalt  }
0x64: {  	_ =	shalt  }
0x65: {  	_ =	shalt  }
0x66: {  	_ =	shalt  }
0x67: {  	_ =	shalt  }
0x68: {  	_ =	shalt  }
0x69: {  	_ =	shalt  }
0x6a: {  	_ =	shalt  }
0x6b: {  	_ =	shalt  }
0x6c: {  	_ =	shalt  }
0x6d: {  	_ =	shalt  }
0x6e: {  	_ =	shalt  }
0x6f: {  	_ =	shalt  }
0x70: {  	_ =	shalt  }
0x71: {  	_ =	shalt  }
0x72: {  	_ =	shalt  }
0x73: {  	_ =	shalt  }
0x74: {  	_ =	shalt  }
0x75: {  	_ =	shalt  }
0x76: {  	_ =	shalt  }
0x77: {  	_ =	shalt  }
0x78: {  	_ =	shalt  }
0x79: {  	_ =	shalt  }
0x7a: {  	_ =	shalt  }
0x7b: {  	_ =	shalt  }
0x7c: {  	_ =	shalt  }
0x7d: {  	_ =	shalt  }
0x7e: {  	_ =	shalt  }
0x7f: {  	_ =	shalt  }
0x80: {  	_ =	shalt  }
0x81: {  	_ =	shalt  }
0x82: {  	_ =	shalt  }
0x83: {  	_ =	shalt  }
0x84: {  	_ =	shalt  }
0x85: {  	_ =	shalt  }
0x86: {  	_ =	shalt  }
0x87: {  	_ =	shalt  }
.Lfunc_end0:
.L_simem_size_0:
called_computation.1_lowered:
.L_overlay_start_0:
0x88: {  	s2 =	sld [smem:$0x3FD9]  }
0x89: {  	s3 =	sld [smem:$0x3FFE];
	_ =	sdelay $0x1  }
0x8a: {  	s1 =	srdreg.scid  }
0x8b: {  	s0 =	sand.u32 $0x1, s1  }
0x8c: {  	s16 =	sshll.u32 s0, $0xA;
	s2 =	sadd.s32 s3, s2  }
0x8d: {  	s2 =	sadd.s32 s2, s16  }
0x8e: {  	[smem:$0x3FBF] =	sst s2  }
0x8f: {  	_ = 	snop  }
0x90: {  	(tm) =	ssettm $0x1  }
0x91: {  	s17 =	sld [smem:$0x3FFB];
	_ =	sdelay $0x3  }
0x92: {  	_ =	strace s17  }
0x93: {  	s2 =	sld [smem:$0x3FFC];
	_ =	sdelay $0x3  }
0x94: {  	_ =	strace s2  }
0x95: {  	s2 =	sld [smem:$0x3FFD];
	_ =	sdelay $0x3  }
0x96: {  	_ =	strace s2  }
0x97: {  	_ =	strace $0x8FFFFFFF  }
0x98: {  	s18 =	sld [smem:$0x3FDB];
	_ =	sdelay $0x1  }
0x99: {  	s19 =	simm.s32 $_scs_section_size  }
0x9a: {  	s4 =	simm.s32 $_size__tile_overlayer_lowered;
	s5 =	simm.s32 $_tile_overlayer_lowered  }
0x9b: {  	s22 =	simm.s32 $0x1BFF;
	s21 =	sshll.u32 s5, $0x1;
	s2 =	sadd.s32 s19, s18  }
0x9c: {  	s6 =	simm.s32 $0x0;
	s20 =	sshll.u32 s4, $0x1;
	s4 =	sadd.s32 s21, s2  }
0x9d: {  	[timem:s6], [sflag:s22] =	dma.local [hbm:s4], s20  }
0x9e: {  	_ =	swait.ge [sflag:s22], s20  }
0x9f: {  	s3 =	ssub.s32 $0x0, s20;
	[sflag:s22] =	ssyncset.done $0x0  }
0xa0: {  	[sflag:s22] =	ssyncadd.s32 s3;
	_ =	sdelay $0x1  }
0xa1: {  	s23 =	simm.s32 $0x1B8B  }
0xa2: {  	_ =	swait.ge [sflag:s23], $0x1  }
0xa3: {  	[sflag:s23] =	ssyncset.done $0x0  }
0xa4: {  	s25 =	simm.s32 $0x1B8E;
	s24 =	sld [smem:$0x3FFE];
	[sflag:s23] =	ssyncadd.s32 $0xFFFFFFFF  }
0xa5: {  	s26 =	simm.s32 $execute0_lowered;
	[smem:$0x3FD2] =	sst s25  }
0xa6: {  	s4 =	sshll.u32 s26, $0x1;
	_ =	strace $0x80000049;
	[dreg:$0x1] =	wrdreg $0xFFFFFFFF  }
0xa7: {  	s28 =	simm.s32 $_size_execute0_lowered;
	s2 =	sadd.s32 s2, s4;
	[dreg:$0x0] =	wrdreg $0x0  }
0xa8: {  	s4 =	sshll.u32 s28, $0x1;
	[dreg:$0x2] =	wrdreg s2  }
0xa9: {  	[dreg:$0x3] =	wrdreg s4  }
0xaa: {  	[dreg:$0x4] =	wrdreg $0xC0  }
0xab: {  	_ =	task [dreg:s6], $0x5FFFF  }
0xac: {  	[dreg:$0x1] =	wrdreg $0xFFFFFFFF  }
0xad: {  	[dreg:$0x0] =	wrdreg $0x60  }
0xae: {  	[dreg:$0x2] =	wrdreg s24  }
0xaf: {  	[dreg:$0x3] =	wrdreg $0x8F000  }
0xb0: {  	[dreg:$0x4] =	wrdreg $0x9  }
0xb1: {  	_ =	task.clear_ibuf [dreg:s6], $0x5FFFF;
	_ =	strace $0x90000049  }
0xb2: {  	s29 =	simm.s32 $0x9;
	_ =	strace $0x8000004B  }
0xb3: {  	_ =	swait.ge [sflag:s29], $0x1  }
0xb4: {  	[sflag:s29] =	ssyncadd.s32 $0xFFFFFFFF  }
0xb5: {  	_ =	strace $0x9000004B  }
0xb6: {  	_ =	sfence  }
0xb7: {  	s30 =	sld [smem:$0x0];
	_ =	sdelay $0x2  }
0xb8: {  	s31 =	sshll.u32 s1, $0xD;
	s1 =	sshrl.u32 s1, $0x2  }
0xb9: {  	s3 =	sand.u32 $0x4000, s31;
	s1 =	sadd.s32 s1, s30  }
0xba: {  	s0 =	sor.u32 s3, s0;
	s1 =	sshll.u32 s1, $0x11  }
0xbb: {  	s0 =	sor.u32 s1, s0  }
0xbc: {  	s0 =	sadd.s32 $0x8F2B, s0  }
0xbd: {  	[sflag:s0] =	ssyncadd.remote.s32 $0x1  }
0xbe: {  	_ =	sfence.sel $0xFFFF  }
0xbf: {  	[dreg:$0x0] =	wrdreg $0xFFFFFFFF;
	(pc) =	sbr.abs _section_cstart, $3  }
0xc0: {  	[dreg:$0x1] =	wrdreg $0xFFFFFFFF  }
0xc1: {  	_ =	task.clear_ibuf [dreg:s6], $0x2FFFF;
	_ =	strace $0x9FFFFFFF  }
0xc2: {  	(tm) =	ssettm $0x7FFFFFFF  }
0xc3: {  	_ =	shalt  }
tec
execute0_lowered:
.L_overlay_start_1:
0x0: {  	(tag) =	ssettag $0x1  }
0x1: {  	s5 =	rddreg [dreg:$0x0]  }
0x2: {  	s2 =	rddreg [dreg:$0x1];
	s3 =	srdreg.scid  }
0x3: {  	s0 =	rddreg [dreg:$0x2];
	s1 =	stileid.u32  }
0x4: {  	s14 =	simm.s32 $0x2;
	s15 =	simm.s32 $0x2780;
	s16 =	simm.s32 $0x6F00  }
0x5: {  	s17 =	simm.s32 $0x80;
	s18 =	simm.s32 $0x4F00;
	s19 =	simm.s32 $0x1  }
0x6: {  	s22 =	simm.s32 $0x0;
	s6 =	sand.u32 $0x1, s3;
	s7 =	smul.u32 $0xA000, s1  }
0x7: {  	s3 =	simm.s32 $0x0;
	s10 =	smul.u32 $0x28000, s1;
	s20 =	sshll.u32 s1, $0x6  }
0x8: {  	s4 =	sshll.u32 s6, $0x4;
	[smem:$0x7FF] =	sst s3;
	s8 =	smul.u32 $0xA0000, s6  }
0x9: {  	s6 =	ssub.s32 $0x2, s6;
	s20 =	sor.u32 $0x1C02, s20;
	s4 =	sor.u32 s1, s4  }
0xa: {  	_ =	strace $0x8000004A;
	s30 =	sshrl.u32 s6, $0x1;
	s31 =	sshrl.u32 s10, $0x2  }
0xb: {  	s9 =	smul.u32 $0x4F0, s4;
	s4 =	sadd.s32 $0x8E600, s5;
	s8 =	sadd.s32 s7, s8  }
0xc: {  	s13 =	ssub.s32 s6, s30;
	s11 =	sadd.s32 s31, s2;
	s7 =	sadd.s32 s7, s2  }
0xd: {  	s8 =	sshrl.u32 s8, $0x3;
	s10 =	sadd.s32 $0x6000, s11;
	s13 =	smax.u32 s13, $0x1  }
0xe: {  	s21 =	sshrl.u32 s7, $0x3;
	s9 =	sadd.s32 s9, s5;
	s12 =	sadd.s32 s8, s5  }
0xf: {  	s8 =	sadd.s32 $0x2000, s11;
	s5 =	sadd.s32 $0xC800, s9;
	s6 =	sadd.s32 $0x2000, s9  }
0x10: {  	v0 =	vimm.f32 $0.0e+00;
	s9 =	sadd.s32 $0x4000, s11;
	s11 =	sadd.s32 $0x8000, s11;
	s12 =	sadd.s32 $0xA2600, s12  }
.LBB2_1:
0x11: {  	[tilespmem:s3], [sflag:$0x2] =	stream.linear.gather [hbm4b:s5+s3], $0x2780, $0x38;
	[tilespmem:$0x12F00] =	vst v63  }
0x12: {  	_ =	swait.ge [sflag:s14], $0x2780  }
0x13: {  	[sflag:s14] =	ssyncset.done $0x0  }
0x14: {  	[sflag:s14] =	ssyncadd.s32 $0xFFFFD880  }
0x15: {  	[tilespmem:s15], [sflag:$0x2] =	stream.linear.gather [hbm4b:s6+s3], $0x2780, $0x38;
	[tilespmem:$0x12F00] =	vst v63  }
0x16: {  	_ =	swait.ge [sflag:s14], $0x2780  }
0x17: {  	[sflag:s14] =	ssyncset.done $0x0  }
0x18: {  	s24 =	simm.s32 $0x100;
	s23 =	simm.s32 $0x0;
	[sflag:s14] =	ssyncadd.s32 $0xFFFFD880  }
.LBB2_2:
0x19: {  	p0 =	sne.s32 s24, $0x7F00;
	[tilespmem:s23+$0x6F30] =	vst v0;
	s25 =	smov.u32 s24;
	s24 =	sadd.s32 $0x100, s24  }
.Ltmp0:
0x1a: {  	[tilespmem:s23+$0x6F20] =	vst v0;
	(pc) =	sbr.rel @p0 .LBB2_2-.Ltmp0, $3  }
0x1b: {  	[tilespmem:s23+$0x6F00] =	vst v0  }
0x1c: {  	[tilespmem:s23+$0x6F10] =	vst v0;
	_ =	sdelay $0x1  }
0x1d: {  	s23 =	sshra.s32 s25, $0x2  }
0x1e: {  	[tilespmem:s23+$0x6F30] =	vst v0  }
0x1f: {  	[tilespmem:s23+$0x6F20] =	vst v0  }
0x20: {  	[tilespmem:s23+$0x6F00] =	vst v0  }
0x21: {  	[tilespmem:s23+$0x6F10] =	vst v0  }
0x22: {  	[spmem:s7] =	stream.linear.scatter [tilespmem:s16], [sflag:$0x2], $0x2000, $0x38;
	[tilespmem:$0x12F00] =	vst v63  }
0x23: {  	_ =	swait.ge [sflag:s14], $0x2000  }
0x24: {  	[sflag:s14] =	ssyncset.done $0x0  }
0x25: {  	[sflag:s14] =	ssyncadd.s32 $0xFFFFE000  }
0x26: {  	[spmem:s8] =	stream.linear.scatter [tilespmem:s16], [sflag:$0x2], $0x2000, $0x38;
	[tilespmem:$0x12F00] =	vst v63  }
0x27: {  	_ =	swait.ge [sflag:s14], $0x2000  }
0x28: {  	[sflag:s14] =	ssyncset.done $0x0  }
0x29: {  	[sflag:s14] =	ssyncadd.s32 $0xFFFFE000  }
0x2a: {  	[spmem:s9] =	stream.linear.scatter [tilespmem:s16], [sflag:$0x2], $0x2000, $0x38;
	[tilespmem:$0x12F00] =	vst v63  }
0x2b: {  	_ =	swait.ge [sflag:s14], $0x2000  }
0x2c: {  	[sflag:s14] =	ssyncset.done $0x0  }
0x2d: {  	[sflag:s14] =	ssyncadd.s32 $0xFFFFE000  }
0x2e: {  	[spmem:s10] =	stream.linear.scatter [tilespmem:s16], [sflag:$0x2], $0x2000, $0x38;
	[tilespmem:$0x12F00] =	vst v63  }
0x2f: {  	_ =	swait.ge [sflag:s14], $0x2000  }
0x30: {  	[sflag:s14] =	ssyncset.done $0x0  }
0x31: {  	[sflag:s14] =	ssyncadd.s32 $0xFFFFE000  }
0x32: {  	[spmem:s11] =	stream.linear.scatter [tilespmem:s16], [sflag:$0x2], $0x2000, $0x38;
	[tilespmem:$0x12F00] =	vst v63  }
0x33: {  	_ =	swait.ge [sflag:s14], $0x2000  }
0x34: {  	[sflag:s14] =	ssyncset.done $0x0  }
0x35: {  	[sflag:s14] =	ssyncadd.s32 $0xFFFFE000  }
0x36: {  	s30 =	simm.s32 $0x0;
	[bflag:$0x0] =	sbarrier.arrive $0xFFFF  }
0x37: {  	[tilespmem:s18], [sflag:$0x1] =	stream.indirect.gather [hbm4b:s4+s17], $0x40, s30, s17, $0xb8;
	[tilespmem:$0x12F00] =	vst v63  }
0x38: {  	_ =	swait.ge [sflag:s19], $0x2000  }
0x39: {  	[sflag:s19] =	ssyncset.done $0x0  }
0x3a: {  	s31 =	simm.s32 $0x2780;
	[sflag:s19] =	ssyncadd.s32 $0xFFFFE000  }
0x3b: {  	[spmem:s2] =	stream.indirect.scatter.add.f32 [tilespmem:s18], [sflag:$0x2], $0x40, s31, s17, $0xb8;
	[tilespmem:$0x12F00] =	vst v63  }
0x3c: {  	_ =	swait.ge [sflag:s14], $0x2000  }
0x3d: {  	s23 =	simm.s32 $0x200;
	s24 =	simm.s32 $0x400;
	[sflag:s14] =	ssyncset.done $0x0  }
.LBB2_4:
0x3e: {  	s25 =	sshra.s32 s23, $0x2  }
0x3f: {  	[sflag:s14] =	ssyncadd.s32 $0xFFFFE000;
	s23 =	smov.u32 s24;
	s26 =	sadd.s32 $0x200, s24  }
0x40: {  	[tilespmem:s18], [sflag:$0x1] =	stream.indirect.gather [hbm4b:s4+s17], $0x40, s25, s17, $0xb8;
	[tilespmem:$0x12F00] =	vst v63  }
0x41: {  	p0 =	sne.s32 s24, $0x9C00;
	_ =	swait.ge [sflag:s19], $0x2000  }
.Ltmp1:
0x42: {  	[sflag:s19] =	ssyncset.done $0x0;
	(pc) =	sbr.rel @p0 .LBB2_4-.Ltmp1, $4  }
0x43: {  	s24 =	sadd.s32 $0x2780, s25;
	[sflag:s19] =	ssyncadd.s32 $0xFFFFE000  }
0x44: {  	[spmem:s2] =	stream.indirect.scatter.add.f32 [tilespmem:s18], [sflag:$0x2], $0x40, s24, s17, $0xb8;
	[tilespmem:$0x12F00] =	vst v63  }
0x45: {  	_ =	swait.ge [sflag:s14], $0x2000  }
0x46: {  	s24 =	smov.u32 s26;
	[sflag:s14] =	ssyncset.done $0x0  }
0x47: {  	s23 =	sshra.s32 s23, $0x2;
	[sflag:s14] =	ssyncadd.s32 $0xFFFFE000  }
0x48: {  	[tilespmem:s18], [sflag:$0x1] =	stream.indirect.gather [hbm4b:s4+s17], $0x40, s23, s17, $0xb8;
	[tilespmem:$0x12F00] =	vst v63  }
0x49: {  	_ =	swait.ge [sflag:s19], $0x2000  }
0x4a: {  	[sflag:s19] =	ssyncset.done $0x0  }
0x4b: {  	s23 =	sadd.s32 $0x2780, s23;
	[sflag:s19] =	ssyncadd.s32 $0xFFFFE000  }
0x4c: {  	[spmem:s2] =	stream.indirect.scatter.add.f32 [tilespmem:s18], [sflag:$0x2], $0x40, s23, s17, $0xb8;
	[tilespmem:$0x12F00] =	vst v63  }
0x4d: {  	_ =	swait.ge [sflag:s14], $0x2000  }
0x4e: {  	s22 =	sadd.s32 $0x1, s22;
	[sflag:s14] =	ssyncset.done $0x0  }
0x4f: {  	p0 =	sne.s32 s22, s13;
	[sflag:s14] =	ssyncadd.s32 $0xFFFFE000  }
.Ltmp2:
0x50: {  	[bflag:$0x0] =	sbarrier.arrive $0xFFFF;
	(pc) =	sbr.rel @p0 .LBB2_1-.Ltmp2, $4  }
0x51: {  	[hbm:s12], [sflag:s20] =	dma.local [spmem:s21], $0x1400  }
0x52: {  	_ =	swait.ge [sflag:s14], $0x1400  }
0x53: {  	[sflag:s14] =	ssyncset.done $0x0  }
0x54: {  	[sflag:s14] =	ssyncadd.s32 $0xFFFFEC00  }
0x55: {  	_ =	sfence.sel $0x180000  }
0x56: {  	[bflag:$0x0] =	sbarrier.arrive $0xFFFF  }
0x57: {  	p0 =	sne.s32 s1, $0x0;
	_ =	strace $0x9000004A  }
0x58: {  	s0 =	sadd.s32 @!p0 $0x100000, s0;
	[bflag:$0x2] =	sbarrier.arrive $0xFFFF  }
0x59: {  	[sflag:s0] =	ssyncadd.tile.s32 @!p0 $0x1;
	_ =	shalt  }
.Lfunc_end2:
_tile_overlayer_lowered:
.L_overlay_start_2:
0x5a: {  	(tag) =	ssettag $0x2  }
0x5b: {  	s0 =	rddreg [dreg:$0x0];
	s2 =	stileid.u32  }
0x5c: {  	s1 =	rddreg [dreg:$0x1];
	p0 =	sne.s32 s2, $0x0  }
0x5d: {  	s3 =	rddreg [dreg:$0x2];
	[bflag:$0x3] =	sbarrier.arrive $0xFFFF;
	s2 =	simm.s32 @!p0 $0x1C02  }
0x5e: {  	[timem:s3], [sflag:s2] =	dma.local @!p0 [hbm:s0], s1  }
0x5f: {  	s0 =	simm.s32 @!p0 $0x2  }
0x60: {  	_ =	swait.ge @!p0 [sflag:s0], s1  }
0x61: {  	s1 =	ssub.s32 @!p0 $0x0, s1;
	[sflag:s0] =	ssyncset.done @!p0 $0x0  }
0x62: {  	[sflag:s0] =	ssyncadd.s32 @!p0 s1  }
0x63: {  	[bflag:$0x3] =	sbarrier.arrive $0xFFFF  }
0x64: {  	_ =	shalt  }

// kernel: kernel.14.cloned.1.call-start
scs
__scs_entry_jumppad:
0x0: {  	(pc) =	sbr.rel $0x88, $3  }
0x1: {  	(tag) =	ssettag $0x0;
	lr =	simm.s32 $0x1  }
0x2: {  	[smem:$0x3F98] =	sst lr;
	_ =	strace $0xD0000000  }
0x3: {  	_ = 	snop  }
0x4: {  	_ = 	snop  }
0x5: {  	_ = 	snop  }
0x6: {  	_ = 	snop  }
0x7: {  	_ = 	snop  }
__scs_overlays_trampoline_lowered:
0x8: {  	[smem:$0x3FA7] =	sst s0  }
0x9: {  	[smem:$0x3FA8] =	sst s1  }
0xa: {  	[smem:$0x3FA9] =	sst s2  }
0xb: {  	[smem:$0x3FAA] =	sst s3  }
0xc: {  	[smem:$0x3FAB] =	sst s4  }
0xd: {  	[smem:$0x3FAC] =	sst s5  }
0xe: {  	[smem:$0x3FAD] =	sst s6  }
0xf: {  	[smem:$0x3FAE] =	sst s7  }
0x10: {  	[smem:$0x3FAF] =	sst s8  }
0x11: {  	[smem:$0x3FB0] =	sst s9;
	s0 =	simm.s32 @!p0 $0x0  }
0x12: {  	s1 =	sld [smem:$0x3F96];
	s0 =	simm.s32 @p0 $0x1  }
0x13: {  	[smem:$0x3FB1] =	sst s0;
	s0 =	simm.s32 @!p1 $0x0  }
0x14: {  	s2 =	sld [smem:$0x3F95];
	s0 =	simm.s32 @p1 $0x1  }
0x15: {  	[smem:$0x3FB2] =	sst s0;
	s0 =	simm.s32 @!p2 $0x0  }
0x16: {  	s3 =	sld [smem:$0x3FDB];
	s0 =	simm.s32 @p2 $0x1  }
0x17: {  	s4 =	simm.s32 $0x1BF5;
	[smem:$0x3FB4] =	sst s0  }
0x18: {  	s0 =	sld [smem:$0x3F97];
	_ =	swait.ge [sflag:s4], $0x0  }
0x19: {  	s7 =	sld [smem:$0x3F98]  }
0x1a: {  	s8 =	sadd.s32 $0xFFFFE003, lr  }
0x1b: {  	s9 =	sadd.s32 $0xFFFFFEF7, lr;
	s5 =	simm.s32 $0xFFFFFFFF;
	p2 =	slt.u32 s8, $0xFFFFF086  }
0x1c: {  	p1 =	slt.u32 s9, $0xF7A;
	s5 =	simm.s32 @!p2 $0x0  }
0x1d: {  	s5 =	simm.s32 @p1 $0x1;
	p0 =	seq.s32 s7, s2  }
0x1e: {  	s7 =	smul.u32 @!p0 $0xF7A, s2;
	p2 =	seq.s32 @!p0 s5, $0x0  }
0x1f: {  	s9 =	smul.u32 $0xF7A, s1;
	s8 =	simm.s32 @!p0 $0x1BF5;
	p2 =	por !p2, p0  }
0x20: {  	[sflag:s8] =	ssyncset.s32 @!p0 $0xFFFFF086;
	s6 =	sadd.s32 @!p0 s3, s7;
	s7 =	simm.s32 @!p0 $0x108  }
0x21: {  	s3 =	sadd.s32 s3, s9;
	s6 =	sadd.s32 @!p0 $0x88, s6;
	s7 =	simm.s32 @p2 $0x1082  }
0x22: {  	[simem:s7], [sflag:s8] =	dma.local @!p0 [hbm:s6], $0xF7A  }
0x23: {  	s9 =	sor.u32 $0xD0000000, s2;
	s6 =	simm.s32 $0x108;
	_ =	swait.ge @!p0 [sflag:s8], $0x0  }
0x24: {  	s3 =	sadd.s32 $0x88, s3;
	s6 =	simm.s32 @!p1 $0x1082;
	[sflag:s4] =	ssyncset.s32 $0xFFFFF086  }
0x25: {  	[simem:s6], [sflag:s4] =	dma.local [hbm:s3], $0xF7A  }
0x26: {  	[smem:$0x3F98] =	sst s1;
	(tag) =	ssettag s2;
	_ =	strace s9  }
0x27: {  	s1 =	sld [smem:$0x3FA8]  }
0x28: {  	s2 =	sld [smem:$0x3FA9]  }
0x29: {  	s4 =	sld [smem:$0x3FAB]  }
0x2a: {  	p0 =	seq.s32 s5, $0x0;
	s5 =	sld [smem:$0x3FAC]  }
0x2b: {  	s6 =	sld [smem:$0x3FAD]  }
0x2c: {  	s7 =	sld [smem:$0x3FAE]  }
0x2d: {  	s3 =	simm.s32 $0x108;
	s8 =	sld [smem:$0x3FAF]  }
0x2e: {  	s3 =	simm.s32 @!p0 $0x1082;
	s9 =	sld [smem:$0x3FB0]  }
0x2f: {  	lr =	sadd.s32 s0, s3;
	s0 =	sld [smem:$0x3FA7]  }
0x30: {  	s3 =	sld [smem:$0x3FAA]  }
0x31: {  	[smem:$0x3FB3] =	sst s10  }
0x32: {  	s10 =	sld [smem:$0x3FB1];
	_ =	sdelay $0x3  }
0x33: {  	p0 =	seq.s32 s10, $0x1;
	s10 =	sld [smem:$0x3FB3];
	_ =	sdelay $0x3  }
0x34: {  	[smem:$0x3FB3] =	sst s10  }
0x35: {  	s10 =	sld [smem:$0x3FB2];
	_ =	sdelay $0x3  }
0x36: {  	p1 =	seq.s32 s10, $0x1;
	s10 =	sld [smem:$0x3FB3];
	_ =	sdelay $0x3  }
0x37: {  	[smem:$0x3FB3] =	sst s10  }
0x38: {  	s10 =	sld [smem:$0x3FB4]  }
0x39: {  	_ = 	snop;
	(pc) =	sbr.ind lr, $3  }
0x3a: {  	_ = 	snop  }
0x3b: {  	_ = 	snop  }
0x3c: {  	p2 =	seq.s32 s10, $0x1;
	s10 =	sld [smem:$0x3FB3]  }
0x3d: {  	_ =	shalt  }
0x3e: {  	_ =	shalt  }
0x3f: {  	_ =	shalt  }
0x40: {  	_ =	shalt  }
0x41: {  	_ =	shalt  }
0x42: {  	_ =	shalt  }
0x43: {  	_ =	shalt  }
0x44: {  	_ =	shalt  }
0x45: {  	_ =	shalt  }
0x46: {  	_ =	shalt  }
0x47: {  	_ =	shalt  }
0x48: {  	_ =	shalt  }
0x49: {  	_ =	shalt  }
0x4a: {  	_ =	shalt  }
0x4b: {  	_ =	shalt  }
0x4c: {  	_ =	shalt  }
0x4d: {  	_ =	shalt  }
0x4e: {  	_ =	shalt  }
0x4f: {  	_ =	shalt  }
0x50: {  	_ =	shalt  }
0x51: {  	_ =	shalt  }
0x52: {  	_ =	shalt  }
0x53: {  	_ =	shalt  }
0x54: {  	_ =	shalt  }
0x55: {  	_ =	shalt  }
0x56: {  	_ =	shalt  }
0x57: {  	_ =	shalt  }
0x58: {  	_ =	shalt  }
0x59: {  	_ =	shalt  }
0x5a: {  	_ =	shalt  }
0x5b: {  	_ =	shalt  }
0x5c: {  	_ =	shalt  }
0x5d: {  	_ =	shalt  }
0x5e: {  	_ =	shalt  }
0x5f: {  	_ =	shalt  }
0x60: {  	_ =	shalt  }
0x61: {  	_ =	shalt  }
0x62: {  	_ =	shalt  }
0x63: {  	_ =	shalt  }
0x64: {  	_ =	shalt  }
0x65: {  	_ =	shalt  }
0x66: {  	_ =	shalt  }
0x67: {  	_ =	shalt  }
0x68: {  	_ =	shalt  }
0x69: {  	_ =	shalt  }
0x6a: {  	_ =	shalt  }
0x6b: {  	_ =	shalt  }
0x6c: {  	_ =	shalt  }
0x6d: {  	_ =	shalt  }
0x6e: {  	_ =	shalt  }
0x6f: {  	_ =	shalt  }
0x70: {  	_ =	shalt  }
0x71: {  	_ =	shalt  }
0x72: {  	_ =	shalt  }
0x73: {  	_ =	shalt  }
0x74: {  	_ =	shalt  }
0x75: {  	_ =	shalt  }
0x76: {  	_ =	shalt  }
0x77: {  	_ =	shalt  }
0x78: {  	_ =	shalt  }
0x79: {  	_ =	shalt  }
0x7a: {  	_ =	shalt  }
0x7b: {  	_ =	shalt  }
0x7c: {  	_ =	shalt  }
0x7d: {  	_ =	shalt  }
0x7e: {  	_ =	shalt  }
0x7f: {  	_ =	shalt  }
0x80: {  	_ =	shalt  }
0x81: {  	_ =	shalt  }
0x82: {  	_ =	shalt  }
0x83: {  	_ =	shalt  }
0x84: {  	_ =	shalt  }
0x85: {  	_ =	shalt  }
0x86: {  	_ =	shalt  }
0x87: {  	_ =	shalt  }
.Lfunc_end0:
.L_simem_size_0:
called_computation.2_lowered:
.L_overlay_start_0:
0x88: {  	s2 =	sld [smem:$0x3FD9]  }
0x89: {  	s3 =	sld [smem:$0x3FFE];
	_ =	sdelay $0x1  }
0x8a: {  	s1 =	srdreg.scid  }
0x8b: {  	s0 =	sand.u32 $0x1, s1  }
0x8c: {  	s16 =	sshll.u32 s0, $0xA;
	s2 =	sadd.s32 s3, s2  }
0x8d: {  	s2 =	sadd.s32 s2, s16  }
0x8e: {  	[smem:$0x3FBF] =	sst s2  }
0x8f: {  	_ = 	snop  }
0x90: {  	(tm) =	ssettm $0x1  }
0x91: {  	s17 =	sld [smem:$0x3FFB];
	_ =	sdelay $0x3  }
0x92: {  	_ =	strace s17  }
0x93: {  	s2 =	sld [smem:$0x3FFC];
	_ =	sdelay $0x3  }
0x94: {  	_ =	strace s2  }
0x95: {  	s2 =	sld [smem:$0x3FFD];
	_ =	sdelay $0x3  }
0x96: {  	_ =	strace s2  }
0x97: {  	_ =	strace $0x8FFFFFFF  }
0x98: {  	s18 =	sld [smem:$0x3FDB];
	_ =	sdelay $0x1  }
0x99: {  	s19 =	simm.s32 $_scs_section_size  }
0x9a: {  	s4 =	simm.s32 $_size__tile_overlayer_lowered;
	s5 =	simm.s32 $_tile_overlayer_lowered  }
0x9b: {  	s22 =	simm.s32 $0x1BFF;
	s21 =	sshll.u32 s5, $0x1;
	s2 =	sadd.s32 s19, s18  }
0x9c: {  	s6 =	simm.s32 $0x0;
	s20 =	sshll.u32 s4, $0x1;
	s4 =	sadd.s32 s21, s2  }
0x9d: {  	[timem:s6], [sflag:s22] =	dma.local [hbm:s4], s20  }
0x9e: {  	_ =	swait.ge [sflag:s22], s20  }
0x9f: {  	s3 =	ssub.s32 $0x0, s20;
	[sflag:s22] =	ssyncset.done $0x0  }
0xa0: {  	[sflag:s22] =	ssyncadd.s32 s3;
	_ =	sdelay $0x1  }
0xa1: {  	s23 =	simm.s32 $0x1B8B  }
0xa2: {  	_ =	swait.ge [sflag:s23], $0x1  }
0xa3: {  	[sflag:s23] =	ssyncset.done $0x0  }
0xa4: {  	s25 =	simm.s32 $0x1B8E;
	s24 =	sld [smem:$0x3FFE];
	[sflag:s23] =	ssyncadd.s32 $0xFFFFFFFF  }
0xa5: {  	s26 =	simm.s32 $execute0_lowered;
	[smem:$0x3FD2] =	sst s25  }
0xa6: {  	s4 =	sshll.u32 s26, $0x1;
	_ =	strace $0x8000004C;
	[dreg:$0x1] =	wrdreg $0xFFFFFFFF  }
0xa7: {  	s28 =	simm.s32 $_size_execute0_lowered;
	s2 =	sadd.s32 s2, s4;
	[dreg:$0x0] =	wrdreg $0x0  }
0xa8: {  	s4 =	sshll.u32 s28, $0x1;
	[dreg:$0x2] =	wrdreg s2  }
0xa9: {  	[dreg:$0x3] =	wrdreg s4  }
0xaa: {  	[dreg:$0x4] =	wrdreg $0xC0  }
0xab: {  	_ =	task [dreg:s6], $0x5FFFF  }
0xac: {  	[dreg:$0x1] =	wrdreg $0xFFFFFFFF  }
0xad: {  	[dreg:$0x0] =	wrdreg $0x60  }
0xae: {  	[dreg:$0x2] =	wrdreg s24  }
0xaf: {  	[dreg:$0x3] =	wrdreg $0x8F000  }
0xb0: {  	[dreg:$0x4] =	wrdreg $0x9  }
0xb1: {  	_ =	task.clear_ibuf [dreg:s6], $0x5FFFF;
	_ =	strace $0x9000004C  }
0xb2: {  	s29 =	simm.s32 $0x9;
	_ =	strace $0x8000004E  }
0xb3: {  	_ =	swait.ge [sflag:s29], $0x1  }
0xb4: {  	[sflag:s29] =	ssyncadd.s32 $0xFFFFFFFF  }
0xb5: {  	_ =	strace $0x9000004E  }
0xb6: {  	_ =	sfence  }
0xb7: {  	s30 =	sld [smem:$0x0];
	_ =	sdelay $0x2  }
0xb8: {  	s31 =	sshll.u32 s1, $0xD;
	s1 =	sshrl.u32 s1, $0x2  }
0xb9: {  	s3 =	sand.u32 $0x4000, s31;
	s1 =	sadd.s32 s1, s30  }
0xba: {  	s0 =	sor.u32 s3, s0;
	s1 =	sshll.u32 s1, $0x11  }
0xbb: {  	s0 =	sor.u32 s1, s0  }
0xbc: {  	s0 =	sadd.s32 $0x8F2B, s0  }
0xbd: {  	[sflag:s0] =	ssyncadd.remote.s32 $0x1  }
0xbe: {  	_ =	sfence.sel $0xFFFF  }
0xbf: {  	[dreg:$0x0] =	wrdreg $0xFFFFFFFF;
	(pc) =	sbr.abs _section_cstart, $3  }
0xc0: {  	[dreg:$0x1] =	wrdreg $0xFFFFFFFF  }
0xc1: {  	_ =	task.clear_ibuf [dreg:s6], $0x2FFFF;
	_ =	strace $0x9FFFFFFF  }
0xc2: {  	(tm) =	ssettm $0x7FFFFFFF  }
0xc3: {  	_ =	shalt  }
tec
execute0_lowered:
.L_overlay_start_1:
0x0: {  	(tag) =	ssettag $0x1  }
0x1: {  	s5 =	rddreg [dreg:$0x0]  }
0x2: {  	s2 =	rddreg [dreg:$0x1];
	s3 =	srdreg.scid  }
0x3: {  	s0 =	rddreg [dreg:$0x2];
	s1 =	stileid.u32  }
0x4: {  	s14 =	simm.s32 $0x2;
	s15 =	simm.s32 $0x2780;
	s16 =	simm.s32 $0x6F00  }
0x5: {  	s17 =	simm.s32 $0x80;
	s18 =	simm.s32 $0x4F00;
	s19 =	simm.s32 $0x1  }
0x6: {  	s22 =	simm.s32 $0x0;
	s6 =	sand.u32 $0x1, s3;
	s7 =	smul.u32 $0xA000, s1  }
0x7: {  	s3 =	simm.s32 $0x0;
	s10 =	smul.u32 $0x28000, s1;
	s20 =	sshll.u32 s1, $0x6  }
0x8: {  	s4 =	sshll.u32 s6, $0x4;
	[smem:$0x7FF] =	sst s3;
	s8 =	smul.u32 $0xA0000, s6  }
0x9: {  	s6 =	ssub.s32 $0x2, s6;
	s20 =	sor.u32 $0x1C02, s20;
	s4 =	sor.u32 s1, s4  }
0xa: {  	_ =	strace $0x8000004D;
	s30 =	sshrl.u32 s6, $0x1;
	s31 =	sshrl.u32 s10, $0x2  }
0xb: {  	s9 =	smul.u32 $0x4F0, s4;
	s4 =	sadd.s32 $0x66600, s5;
	s8 =	sadd.s32 s7, s8  }
0xc: {  	s13 =	ssub.s32 s6, s30;
	s11 =	sadd.s32 s31, s2;
	s7 =	sadd.s32 s7, s2  }
0xd: {  	s8 =	sshrl.u32 s8, $0x3;
	s10 =	sadd.s32 $0x6000, s11;
	s13 =	smax.u32 s13, $0x1  }
0xe: {  	s21 =	sshrl.u32 s7, $0x3;
	s9 =	sadd.s32 s9, s5;
	s12 =	sadd.s32 s8, s5  }
0xf: {  	s8 =	sadd.s32 $0x2000, s11;
	s5 =	sadd.s32 $0xC800, s9;
	s6 =	sadd.s32 $0x2000, s9  }
0x10: {  	v0 =	vimm.f32 $0.0e+00;
	s9 =	sadd.s32 $0x4000, s11;
	s11 =	sadd.s32 $0x8000, s11;
	s12 =	sadd.s32 $0x7A600, s12  }
.LBB2_1:
0x11: {  	[tilespmem:s3], [sflag:$0x2] =	stream.linear.gather [hbm4b:s5+s3], $0x2780, $0x38;
	[tilespmem:$0x12F00] =	vst v63  }
0x12: {  	_ =	swait.ge [sflag:s14], $0x2780  }
0x13: {  	[sflag:s14] =	ssyncset.done $0x0  }
0x14: {  	[sflag:s14] =	ssyncadd.s32 $0xFFFFD880  }
0x15: {  	[tilespmem:s15], [sflag:$0x2] =	stream.linear.gather [hbm4b:s6+s3], $0x2780, $0x38;
	[tilespmem:$0x12F00] =	vst v63  }
0x16: {  	_ =	swait.ge [sflag:s14], $0x2780  }
0x17: {  	[sflag:s14] =	ssyncset.done $0x0  }
0x18: {  	s24 =	simm.s32 $0x100;
	s23 =	simm.s32 $0x0;
	[sflag:s14] =	ssyncadd.s32 $0xFFFFD880  }
.LBB2_2:
0x19: {  	p0 =	sne.s32 s24, $0x7F00;
	[tilespmem:s23+$0x6F30] =	vst v0;
	s25 =	smov.u32 s24;
	s24 =	sadd.s32 $0x100, s24  }
.Ltmp0:
0x1a: {  	[tilespmem:s23+$0x6F20] =	vst v0;
	(pc) =	sbr.rel @p0 .LBB2_2-.Ltmp0, $3  }
0x1b: {  	[tilespmem:s23+$0x6F00] =	vst v0  }
0x1c: {  	[tilespmem:s23+$0x6F10] =	vst v0;
	_ =	sdelay $0x1  }
0x1d: {  	s23 =	sshra.s32 s25, $0x2  }
0x1e: {  	[tilespmem:s23+$0x6F30] =	vst v0  }
0x1f: {  	[tilespmem:s23+$0x6F20] =	vst v0  }
0x20: {  	[tilespmem:s23+$0x6F00] =	vst v0  }
0x21: {  	[tilespmem:s23+$0x6F10] =	vst v0  }
0x22: {  	[spmem:s7] =	stream.linear.scatter [tilespmem:s16], [sflag:$0x2], $0x2000, $0x38;
	[tilespmem:$0x12F00] =	vst v63  }
0x23: {  	_ =	swait.ge [sflag:s14], $0x2000  }
0x24: {  	[sflag:s14] =	ssyncset.done $0x0  }
0x25: {  	[sflag:s14] =	ssyncadd.s32 $0xFFFFE000  }
0x26: {  	[spmem:s8] =	stream.linear.scatter [tilespmem:s16], [sflag:$0x2], $0x2000, $0x38;
	[tilespmem:$0x12F00] =	vst v63  }
0x27: {  	_ =	swait.ge [sflag:s14], $0x2000  }
0x28: {  	[sflag:s14] =	ssyncset.done $0x0  }
0x29: {  	[sflag:s14] =	ssyncadd.s32 $0xFFFFE000  }
0x2a: {  	[spmem:s9] =	stream.linear.scatter [tilespmem:s16], [sflag:$0x2], $0x2000, $0x38;
	[tilespmem:$0x12F00] =	vst v63  }
0x2b: {  	_ =	swait.ge [sflag:s14], $0x2000  }
0x2c: {  	[sflag:s14] =	ssyncset.done $0x0  }
0x2d: {  	[sflag:s14] =	ssyncadd.s32 $0xFFFFE000  }
0x2e: {  	[spmem:s10] =	stream.linear.scatter [tilespmem:s16], [sflag:$0x2], $0x2000, $0x38;
	[tilespmem:$0x12F00] =	vst v63  }
0x2f: {  	_ =	swait.ge [sflag:s14], $0x2000  }
0x30: {  	[sflag:s14] =	ssyncset.done $0x0  }
0x31: {  	[sflag:s14] =	ssyncadd.s32 $0xFFFFE000  }
0x32: {  	[spmem:s11] =	stream.linear.scatter [tilespmem:s16], [sflag:$0x2], $0x2000, $0x38;
	[tilespmem:$0x12F00] =	vst v63  }
0x33: {  	_ =	swait.ge [sflag:s14], $0x2000  }
0x34: {  	[sflag:s14] =	ssyncset.done $0x0  }
0x35: {  	[sflag:s14] =	ssyncadd.s32 $0xFFFFE000  }
0x36: {  	s30 =	simm.s32 $0x0;
	[bflag:$0x0] =	sbarrier.arrive $0xFFFF  }
0x37: {  	[tilespmem:s18], [sflag:$0x1] =	stream.indirect.gather [hbm4b:s4+s17], $0x40, s30, s17, $0xb8;
	[tilespmem:$0x12F00] =	vst v63  }
0x38: {  	_ =	swait.ge [sflag:s19], $0x2000  }
0x39: {  	[sflag:s19] =	ssyncset.done $0x0  }
0x3a: {  	s31 =	simm.s32 $0x2780;
	[sflag:s19] =	ssyncadd.s32 $0xFFFFE000  }
0x3b: {  	[spmem:s2] =	stream.indirect.scatter.add.f32 [tilespmem:s18], [sflag:$0x2], $0x40, s31, s17, $0xb8;
	[tilespmem:$0x12F00] =	vst v63  }
0x3c: {  	_ =	swait.ge [sflag:s14], $0x2000  }
0x3d: {  	s23 =	simm.s32 $0x200;
	s24 =	simm.s32 $0x400;
	[sflag:s14] =	ssyncset.done $0x0  }
.LBB2_4:
0x3e: {  	s25 =	sshra.s32 s23, $0x2  }
0x3f: {  	[sflag:s14] =	ssyncadd.s32 $0xFFFFE000;
	s23 =	smov.u32 s24;
	s26 =	sadd.s32 $0x200, s24  }
0x40: {  	[tilespmem:s18], [sflag:$0x1] =	stream.indirect.gather [hbm4b:s4+s17], $0x40, s25, s17, $0xb8;
	[tilespmem:$0x12F00] =	vst v63  }
0x41: {  	p0 =	sne.s32 s24, $0x9C00;
	_ =	swait.ge [sflag:s19], $0x2000  }
.Ltmp1:
0x42: {  	[sflag:s19] =	ssyncset.done $0x0;
	(pc) =	sbr.rel @p0 .LBB2_4-.Ltmp1, $4  }
0x43: {  	s24 =	sadd.s32 $0x2780, s25;
	[sflag:s19] =	ssyncadd.s32 $0xFFFFE000  }
0x44: {  	[spmem:s2] =	stream.indirect.scatter.add.f32 [tilespmem:s18], [sflag:$0x2], $0x40, s24, s17, $0xb8;
	[tilespmem:$0x12F00] =	vst v63  }
0x45: {  	_ =	swait.ge [sflag:s14], $0x2000  }
0x46: {  	s24 =	smov.u32 s26;
	[sflag:s14] =	ssyncset.done $0x0  }
0x47: {  	s23 =	sshra.s32 s23, $0x2;
	[sflag:s14] =	ssyncadd.s32 $0xFFFFE000  }
0x48: {  	[tilespmem:s18], [sflag:$0x1] =	stream.indirect.gather [hbm4b:s4+s17], $0x40, s23, s17, $0xb8;
	[tilespmem:$0x12F00] =	vst v63  }
0x49: {  	_ =	swait.ge [sflag:s19], $0x2000  }
0x4a: {  	[sflag:s19] =	ssyncset.done $0x0  }
0x4b: {  	s23 =	sadd.s32 $0x2780, s23;
	[sflag:s19] =	ssyncadd.s32 $0xFFFFE000  }
0x4c: {  	[spmem:s2] =	stream.indirect.scatter.add.f32 [tilespmem:s18], [sflag:$0x2], $0x40, s23, s17, $0xb8;
	[tilespmem:$0x12F00] =	vst v63  }
0x4d: {  	_ =	swait.ge [sflag:s14], $0x2000  }
0x4e: {  	s22 =	sadd.s32 $0x1, s22;
	[sflag:s14] =	ssyncset.done $0x0  }
0x4f: {  	p0 =	sne.s32 s22, s13;
	[sflag:s14] =	ssyncadd.s32 $0xFFFFE000  }
.Ltmp2:
0x50: {  	[bflag:$0x0] =	sbarrier.arrive $0xFFFF;
	(pc) =	sbr.rel @p0 .LBB2_1-.Ltmp2, $4  }
0x51: {  	[hbm:s12], [sflag:s20] =	dma.local [spmem:s21], $0x1400  }
0x52: {  	_ =	swait.ge [sflag:s14], $0x1400  }
0x53: {  	[sflag:s14] =	ssyncset.done $0x0  }
0x54: {  	[sflag:s14] =	ssyncadd.s32 $0xFFFFEC00  }
0x55: {  	_ =	sfence.sel $0x180000  }
0x56: {  	[bflag:$0x0] =	sbarrier.arrive $0xFFFF  }
0x57: {  	p0 =	sne.s32 s1, $0x0;
	_ =	strace $0x9000004D  }
0x58: {  	s0 =	sadd.s32 @!p0 $0x100000, s0;
	[bflag:$0x2] =	sbarrier.arrive $0xFFFF  }
0x59: {  	[sflag:s0] =	ssyncadd.tile.s32 @!p0 $0x1;
	_ =	shalt  }
.Lfunc_end2:
_tile_overlayer_lowered:
.L_overlay_start_2:
0x5a: {  	(tag) =	ssettag $0x2  }
0x5b: {  	s0 =	rddreg [dreg:$0x0];
	s2 =	stileid.u32  }
0x5c: {  	s1 =	rddreg [dreg:$0x1];
	p0 =	sne.s32 s2, $0x0  }
0x5d: {  	s3 =	rddreg [dreg:$0x2];
	[bflag:$0x3] =	sbarrier.arrive $0xFFFF;
	s2 =	simm.s32 @!p0 $0x1C02  }
0x5e: {  	[timem:s3], [sflag:s2] =	dma.local @!p0 [hbm:s0], s1  }
0x5f: {  	s0 =	simm.s32 @!p0 $0x2  }
0x60: {  	_ =	swait.ge @!p0 [sflag:s0], s1  }
0x61: {  	s1 =	ssub.s32 @!p0 $0x0, s1;
	[sflag:s0] =	ssyncset.done @!p0 $0x0  }
0x62: {  	[sflag:s0] =	ssyncadd.s32 @!p0 s1  }
0x63: {  	[bflag:$0x3] =	sbarrier.arrive $0xFFFF  }
0x64: {  	_ =	shalt  }

// kernel: kernel.8.cloned.1.call-start
scs
__scs_entry_jumppad:
0x0: {  	(pc) =	sbr.rel $0x88, $3  }
0x1: {  	(tag) =	ssettag $0x0;
	lr =	simm.s32 $0x1  }
0x2: {  	[smem:$0x3F98] =	sst lr;
	_ =	strace $0xD0000000  }
0x3: {  	_ = 	snop  }
0x4: {  	_ = 	snop  }
0x5: {  	_ = 	snop  }
0x6: {  	_ = 	snop  }
0x7: {  	_ = 	snop  }
__scs_overlays_trampoline_lowered:
0x8: {  	[smem:$0x3FA7] =	sst s0  }
0x9: {  	[smem:$0x3FA8] =	sst s1  }
0xa: {  	[smem:$0x3FA9] =	sst s2  }
0xb: {  	[smem:$0x3FAA] =	sst s3  }
0xc: {  	[smem:$0x3FAB] =	sst s4  }
0xd: {  	[smem:$0x3FAC] =	sst s5  }
0xe: {  	[smem:$0x3FAD] =	sst s6  }
0xf: {  	[smem:$0x3FAE] =	sst s7  }
0x10: {  	[smem:$0x3FAF] =	sst s8  }
0x11: {  	[smem:$0x3FB0] =	sst s9;
	s0 =	simm.s32 @!p0 $0x0  }
0x12: {  	s1 =	sld [smem:$0x3F96];
	s0 =	simm.s32 @p0 $0x1  }
0x13: {  	[smem:$0x3FB1] =	sst s0;
	s0 =	simm.s32 @!p1 $0x0  }
0x14: {  	s2 =	sld [smem:$0x3F95];
	s0 =	simm.s32 @p1 $0x1  }
0x15: {  	[smem:$0x3FB2] =	sst s0;
	s0 =	simm.s32 @!p2 $0x0  }
0x16: {  	s3 =	sld [smem:$0x3FDB];
	s0 =	simm.s32 @p2 $0x1  }
0x17: {  	s4 =	simm.s32 $0x1BF5;
	[smem:$0x3FB4] =	sst s0  }
0x18: {  	s0 =	sld [smem:$0x3F97];
	_ =	swait.ge [sflag:s4], $0x0  }
0x19: {  	s7 =	sld [smem:$0x3F98]  }
0x1a: {  	s8 =	sadd.s32 $0xFFFFE003, lr  }
0x1b: {  	s9 =	sadd.s32 $0xFFFFFEF7, lr;
	s5 =	simm.s32 $0xFFFFFFFF;
	p2 =	slt.u32 s8, $0xFFFFF086  }
0x1c: {  	p1 =	slt.u32 s9, $0xF7A;
	s5 =	simm.s32 @!p2 $0x0  }
0x1d: {  	s5 =	simm.s32 @p1 $0x1;
	p0 =	seq.s32 s7, s2  }
0x1e: {  	s7 =	smul.u32 @!p0 $0xF7A, s2;
	p2 =	seq.s32 @!p0 s5, $0x0  }
0x1f: {  	s9 =	smul.u32 $0xF7A, s1;
	s8 =	simm.s32 @!p0 $0x1BF5;
	p2 =	por !p2, p0  }
0x20: {  	[sflag:s8] =	ssyncset.s32 @!p0 $0xFFFFF086;
	s6 =	sadd.s32 @!p0 s3, s7;
	s7 =	simm.s32 @!p0 $0x108  }
0x21: {  	s3 =	sadd.s32 s3, s9;
	s6 =	sadd.s32 @!p0 $0x88, s6;
	s7 =	simm.s32 @p2 $0x1082  }
0x22: {  	[simem:s7], [sflag:s8] =	dma.local @!p0 [hbm:s6], $0xF7A  }
0x23: {  	s9 =	sor.u32 $0xD0000000, s2;
	s6 =	simm.s32 $0x108;
	_ =	swait.ge @!p0 [sflag:s8], $0x0  }
0x24: {  	s3 =	sadd.s32 $0x88, s3;
	s6 =	simm.s32 @!p1 $0x1082;
	[sflag:s4] =	ssyncset.s32 $0xFFFFF086  }
0x25: {  	[simem:s6], [sflag:s4] =	dma.local [hbm:s3], $0xF7A  }
0x26: {  	[smem:$0x3F98] =	sst s1;
	(tag) =	ssettag s2;
	_ =	strace s9  }
0x27: {  	s1 =	sld [smem:$0x3FA8]  }
0x28: {  	s2 =	sld [smem:$0x3FA9]  }
0x29: {  	s4 =	sld [smem:$0x3FAB]  }
0x2a: {  	p0 =	seq.s32 s5, $0x0;
	s5 =	sld [smem:$0x3FAC]  }
0x2b: {  	s6 =	sld [smem:$0x3FAD]  }
0x2c: {  	s7 =	sld [smem:$0x3FAE]  }
0x2d: {  	s3 =	simm.s32 $0x108;
	s8 =	sld [smem:$0x3FAF]  }
0x2e: {  	s3 =	simm.s32 @!p0 $0x1082;
	s9 =	sld [smem:$0x3FB0]  }
0x2f: {  	lr =	sadd.s32 s0, s3;
	s0 =	sld [smem:$0x3FA7]  }
0x30: {  	s3 =	sld [smem:$0x3FAA]  }
0x31: {  	[smem:$0x3FB3] =	sst s10  }
0x32: {  	s10 =	sld [smem:$0x3FB1];
	_ =	sdelay $0x3  }
0x33: {  	p0 =	seq.s32 s10, $0x1;
	s10 =	sld [smem:$0x3FB3];
	_ =	sdelay $0x3  }
0x34: {  	[smem:$0x3FB3] =	sst s10  }
0x35: {  	s10 =	sld [smem:$0x3FB2];
	_ =	sdelay $0x3  }
0x36: {  	p1 =	seq.s32 s10, $0x1;
	s10 =	sld [smem:$0x3FB3];
	_ =	sdelay $0x3  }
0x37: {  	[smem:$0x3FB3] =	sst s10  }
0x38: {  	s10 =	sld [smem:$0x3FB4]  }
0x39: {  	_ = 	snop;
	(pc) =	sbr.ind lr, $3  }
0x3a: {  	_ = 	snop  }
0x3b: {  	_ = 	snop  }
0x3c: {  	p2 =	seq.s32 s10, $0x1;
	s10 =	sld [smem:$0x3FB3]  }
0x3d: {  	_ =	shalt  }
0x3e: {  	_ =	shalt  }
0x3f: {  	_ =	shalt  }
0x40: {  	_ =	shalt  }
0x41: {  	_ =	shalt  }
0x42: {  	_ =	shalt  }
0x43: {  	_ =	shalt  }
0x44: {  	_ =	shalt  }
0x45: {  	_ =	shalt  }
0x46: {  	_ =	shalt  }
0x47: {  	_ =	shalt  }
0x48: {  	_ =	shalt  }
0x49: {  	_ =	shalt  }
0x4a: {  	_ =	shalt  }
0x4b: {  	_ =	shalt  }
0x4c: {  	_ =	shalt  }
0x4d: {  	_ =	shalt  }
0x4e: {  	_ =	shalt  }
0x4f: {  	_ =	shalt  }
0x50: {  	_ =	shalt  }
0x51: {  	_ =	shalt  }
0x52: {  	_ =	shalt  }
0x53: {  	_ =	shalt  }
0x54: {  	_ =	shalt  }
0x55: {  	_ =	shalt  }
0x56: {  	_ =	shalt  }
0x57: {  	_ =	shalt  }
0x58: {  	_ =	shalt  }
0x59: {  	_ =	shalt  }
0x5a: {  	_ =	shalt  }
0x5b: {  	_ =	shalt  }
0x5c: {  	_ =	shalt  }
0x5d: {  	_ =	shalt  }
0x5e: {  	_ =	shalt  }
0x5f: {  	_ =	shalt  }
0x60: {  	_ =	shalt  }
0x61: {  	_ =	shalt  }
0x62: {  	_ =	shalt  }
0x63: {  	_ =	shalt  }
0x64: {  	_ =	shalt  }
0x65: {  	_ =	shalt  }
0x66: {  	_ =	shalt  }
0x67: {  	_ =	shalt  }
0x68: {  	_ =	shalt  }
0x69: {  	_ =	shalt  }
0x6a: {  	_ =	shalt  }
0x6b: {  	_ =	shalt  }
0x6c: {  	_ =	shalt  }
0x6d: {  	_ =	shalt  }
0x6e: {  	_ =	shalt  }
0x6f: {  	_ =	shalt  }
0x70: {  	_ =	shalt  }
0x71: {  	_ =	shalt  }
0x72: {  	_ =	shalt  }
0x73: {  	_ =	shalt  }
0x74: {  	_ =	shalt  }
0x75: {  	_ =	shalt  }
0x76: {  	_ =	shalt  }
0x77: {  	_ =	shalt  }
0x78: {  	_ =	shalt  }
0x79: {  	_ =	shalt  }
0x7a: {  	_ =	shalt  }
0x7b: {  	_ =	shalt  }
0x7c: {  	_ =	shalt  }
0x7d: {  	_ =	shalt  }
0x7e: {  	_ =	shalt  }
0x7f: {  	_ =	shalt  }
0x80: {  	_ =	shalt  }
0x81: {  	_ =	shalt  }
0x82: {  	_ =	shalt  }
0x83: {  	_ =	shalt  }
0x84: {  	_ =	shalt  }
0x85: {  	_ =	shalt  }
0x86: {  	_ =	shalt  }
0x87: {  	_ =	shalt  }
.Lfunc_end0:
.L_simem_size_0:
called_computation_lowered:
.L_overlay_start_0:
0x88: {  	s2 =	sld [smem:$0x3FD9]  }
0x89: {  	s3 =	sld [smem:$0x3FFE];
	_ =	sdelay $0x1  }
0x8a: {  	s1 =	srdreg.scid  }
0x8b: {  	s0 =	sand.u32 $0x1, s1  }
0x8c: {  	s16 =	sshll.u32 s0, $0xA;
	s2 =	sadd.s32 s3, s2  }
0x8d: {  	s2 =	sadd.s32 s2, s16  }
0x8e: {  	[smem:$0x3FBF] =	sst s2  }
0x8f: {  	_ = 	snop  }
0x90: {  	(tm) =	ssettm $0x1  }
0x91: {  	s17 =	sld [smem:$0x3FFB];
	_ =	sdelay $0x3  }
0x92: {  	_ =	strace s17  }
0x93: {  	s2 =	sld [smem:$0x3FFC];
	_ =	sdelay $0x3  }
0x94: {  	_ =	strace s2  }
0x95: {  	s2 =	sld [smem:$0x3FFD];
	_ =	sdelay $0x3  }
0x96: {  	_ =	strace s2  }
0x97: {  	_ =	strace $0x8FFFFFFF  }
0x98: {  	s18 =	sld [smem:$0x3FDB];
	_ =	sdelay $0x1  }
0x99: {  	s19 =	simm.s32 $_scs_section_size  }
0x9a: {  	s4 =	simm.s32 $_size__tile_overlayer_lowered;
	s5 =	simm.s32 $_tile_overlayer_lowered  }
0x9b: {  	s22 =	simm.s32 $0x1BFF;
	s21 =	sshll.u32 s5, $0x1;
	s2 =	sadd.s32 s19, s18  }
0x9c: {  	s6 =	simm.s32 $0x0;
	s20 =	sshll.u32 s4, $0x1;
	s4 =	sadd.s32 s21, s2  }
0x9d: {  	[timem:s6], [sflag:s22] =	dma.local [hbm:s4], s20  }
0x9e: {  	_ =	swait.ge [sflag:s22], s20  }
0x9f: {  	s3 =	ssub.s32 $0x0, s20;
	[sflag:s22] =	ssyncset.done $0x0  }
0xa0: {  	[sflag:s22] =	ssyncadd.s32 s3;
	_ =	sdelay $0x1  }
0xa1: {  	s23 =	simm.s32 $0x1B8B  }
0xa2: {  	_ =	swait.ge [sflag:s23], $0x1  }
0xa3: {  	[sflag:s23] =	ssyncset.done $0x0  }
0xa4: {  	s25 =	simm.s32 $0x1B8E;
	s24 =	sld [smem:$0x3FFE];
	[sflag:s23] =	ssyncadd.s32 $0xFFFFFFFF  }
0xa5: {  	s26 =	simm.s32 $execute0_lowered;
	[smem:$0x3FD2] =	sst s25  }
0xa6: {  	s4 =	sshll.u32 s26, $0x1;
	_ =	strace $0x80000046;
	[dreg:$0x1] =	wrdreg $0xFFFFFFFF  }
0xa7: {  	s28 =	simm.s32 $_size_execute0_lowered;
	s2 =	sadd.s32 s2, s4;
	[dreg:$0x0] =	wrdreg $0x0  }
0xa8: {  	s4 =	sshll.u32 s28, $0x1;
	[dreg:$0x2] =	wrdreg s2  }
0xa9: {  	[dreg:$0x3] =	wrdreg s4  }
0xaa: {  	[dreg:$0x4] =	wrdreg $0xC0  }
0xab: {  	_ =	task [dreg:s6], $0x5FFFF  }
0xac: {  	[dreg:$0x1] =	wrdreg $0xFFFFFFFF  }
0xad: {  	[dreg:$0x0] =	wrdreg $0x60  }
0xae: {  	[dreg:$0x2] =	wrdreg s24  }
0xaf: {  	[dreg:$0x3] =	wrdreg $0x2A800  }
0xb0: {  	[dreg:$0x4] =	wrdreg $0x9  }
0xb1: {  	_ =	task.clear_ibuf [dreg:s6], $0x5FFFF;
	_ =	strace $0x90000046  }
0xb2: {  	s29 =	simm.s32 $0x9;
	_ =	strace $0x80000048  }
0xb3: {  	_ =	swait.ge [sflag:s29], $0x1  }
0xb4: {  	[sflag:s29] =	ssyncadd.s32 $0xFFFFFFFF  }
0xb5: {  	_ =	strace $0x90000048  }
0xb6: {  	_ =	sfence  }
0xb7: {  	s30 =	sld [smem:$0x0];
	_ =	sdelay $0x2  }
0xb8: {  	s31 =	sshll.u32 s1, $0xD;
	s1 =	sshrl.u32 s1, $0x2  }
0xb9: {  	s3 =	sand.u32 $0x4000, s31;
	s1 =	sadd.s32 s1, s30  }
0xba: {  	s0 =	sor.u32 s3, s0;
	s1 =	sshll.u32 s1, $0x11  }
0xbb: {  	s0 =	sor.u32 s1, s0  }
0xbc: {  	s0 =	sadd.s32 $0x8F2B, s0  }
0xbd: {  	[sflag:s0] =	ssyncadd.remote.s32 $0x1  }
0xbe: {  	_ =	sfence.sel $0xFFFF  }
0xbf: {  	[dreg:$0x0] =	wrdreg $0xFFFFFFFF;
	(pc) =	sbr.abs _section_cstart, $3  }
0xc0: {  	[dreg:$0x1] =	wrdreg $0xFFFFFFFF  }
0xc1: {  	_ =	task.clear_ibuf [dreg:s6], $0x2FFFF;
	_ =	strace $0x9FFFFFFF  }
0xc2: {  	(tm) =	ssettm $0x7FFFFFFF  }
0xc3: {  	_ =	shalt  }
tec
execute0_lowered:
.L_overlay_start_1:
0x0: {  	(tag) =	ssettag $0x1  }
0x1: {  	s4 =	rddreg [dreg:$0x0]  }
0x2: {  	s2 =	rddreg [dreg:$0x1];
	s3 =	srdreg.scid  }
0x3: {  	s1 =	stileid.u32;
	s0 =	rddreg [dreg:$0x2];
	s10 =	simm.s32 $0x80  }
0x4: {  	s11 =	simm.s32 $0x2780;
	s14 =	simm.s32 $0x0;
	s5 =	sand.u32 $0x1, s3  }
0x5: {  	s6 =	smul.u32 $0x280, s1;
	s3 =	simm.s32 $0x0;
	s12 =	sshll.u32 s1, $0x6  }
0x6: {  	s7 =	sshll.u32 s5, $0x4;
	s8 =	smul.u32 $0x2800, s5;
	[smem:$0x7FF] =	sst s3  }
0x7: {  	s5 =	ssub.s32 $0x2, s5;
	s12 =	sor.u32 $0x1C01, s12;
	s7 =	sor.u32 s1, s7  }
0x8: {  	s9 =	sshrl.u32 s5, $0x1;
	s7 =	smul.u32 $0x4F0, s7;
	s8 =	sadd.s32 s6, s8  }
0x9: {  	_ =	strace $0x80000047;
	s9 =	ssub.s32 s5, s9;
	s8 =	sshrl.u32 s8, $0x3  }
0xa: {  	s5 =	sadd.s32 s6, s2;
	s7 =	sadd.s32 s7, s4;
	s8 =	sadd.s32 s8, s4  }
0xb: {  	s13 =	sshrl.u32 s5, $0x3;
	s4 =	sadd.s32 $0x2000, s7;
	s6 =	sadd.s32 $0xBE00, s8  }
0xc: {  	v0 =	vimm.f32 $1.000000000e+00;
	v1 =	vimm.f32 $0.0e+00;
	s7 =	smax.u32 s9, $0x1;
	s8 =	simm.s32 $0x1;
	s9 =	simm.s32 $0x2800  }
.LBB2_1:
0xd: {  	[tilespmem:s3], [sflag:$0x1] =	stream.linear.gather [hbm4b:s4+s3], $0x2780, $0x38;
	[tilespmem:$0x2D00] =	vst v63  }
0xe: {  	_ =	swait.ge [sflag:s8], $0x2780  }
0xf: {  	[sflag:s8] =	ssyncset.done $0x0  }
0x10: {  	[sflag:s8] =	ssyncadd.s32 $0xFFFFD880  }
0x11: {  	[tilespmem:$0x2780] =	vst v0  }
0x12: {  	[tilespmem:$0x2790] =	vst v0  }
0x13: {  	[tilespmem:$0x27A0] =	vst v0  }
0x14: {  	[tilespmem:$0x27B0] =	vst v0  }
0x15: {  	[tilespmem:$0x27C0] =	vst v0  }
0x16: {  	[tilespmem:$0x27D0] =	vst v0  }
0x17: {  	[tilespmem:$0x27E0] =	vst v0  }
0x18: {  	[tilespmem:$0x27F0] =	vst v0  }
0x19: {  	[tilespmem:$0x2800] =	vst v1  }
0x1a: {  	[tilespmem:$0x2810] =	vst v1  }
0x1b: {  	[tilespmem:$0x2820] =	vst v1  }
0x1c: {  	[tilespmem:$0x2830] =	vst v1  }
0x1d: {  	[tilespmem:$0x2840] =	vst v1  }
0x1e: {  	[tilespmem:$0x2850] =	vst v1  }
0x1f: {  	[tilespmem:$0x2860] =	vst v1  }
0x20: {  	[tilespmem:$0x2870] =	vst v1  }
0x21: {  	[tilespmem:$0x2880] =	vst v1  }
0x22: {  	[tilespmem:$0x2890] =	vst v1  }
0x23: {  	[tilespmem:$0x28A0] =	vst v1  }
0x24: {  	[tilespmem:$0x28B0] =	vst v1  }
0x25: {  	[tilespmem:$0x28C0] =	vst v1  }
0x26: {  	[tilespmem:$0x28D0] =	vst v1  }
0x27: {  	[tilespmem:$0x28E0] =	vst v1  }
0x28: {  	[tilespmem:$0x28F0] =	vst v1  }
0x29: {  	[tilespmem:$0x2900] =	vst v1  }
0x2a: {  	[tilespmem:$0x2910] =	vst v1  }
0x2b: {  	[tilespmem:$0x2920] =	vst v1  }
0x2c: {  	[tilespmem:$0x2930] =	vst v1  }
0x2d: {  	[tilespmem:$0x2940] =	vst v1  }
0x2e: {  	[tilespmem:$0x2950] =	vst v1  }
0x2f: {  	[tilespmem:$0x2960] =	vst v1  }
0x30: {  	[tilespmem:$0x2970] =	vst v1  }
0x31: {  	[tilespmem:$0x2980] =	vst v1  }
0x32: {  	[tilespmem:$0x2990] =	vst v1  }
0x33: {  	[tilespmem:$0x29A0] =	vst v1  }
0x34: {  	[tilespmem:$0x29B0] =	vst v1  }
0x35: {  	[tilespmem:$0x29C0] =	vst v1  }
0x36: {  	[tilespmem:$0x29D0] =	vst v1  }
0x37: {  	[tilespmem:$0x29E0] =	vst v1  }
0x38: {  	[tilespmem:$0x29F0] =	vst v1  }
0x39: {  	[tilespmem:$0x2A00] =	vst v1  }
0x3a: {  	[tilespmem:$0x2A10] =	vst v1  }
0x3b: {  	[tilespmem:$0x2A20] =	vst v1  }
0x3c: {  	[tilespmem:$0x2A30] =	vst v1  }
0x3d: {  	[tilespmem:$0x2A40] =	vst v1  }
0x3e: {  	[tilespmem:$0x2A50] =	vst v1  }
0x3f: {  	[tilespmem:$0x2A60] =	vst v1  }
0x40: {  	[tilespmem:$0x2A70] =	vst v1  }
0x41: {  	[spmem:s5] =	stream.linear.scatter [tilespmem:s9], [sflag:$0x1], $0x280, $0x38;
	[tilespmem:$0x2D00] =	vst v63  }
0x42: {  	_ =	swait.ge [sflag:s8], $0x280  }
0x43: {  	[sflag:s8] =	ssyncset.done $0x0  }
0x44: {  	[sflag:s8] =	ssyncadd.s32 $0xFFFFFD80  }
0x45: {  	s15 =	simm.s32 $0x0;
	[bflag:$0x0] =	sbarrier.arrive $0xFFFF  }
0x46: {  	[spmem:s2] =	stream.indirect.scatter.add.f32 [tilespmem:s11], [sflag:$0x1], $0x1, s15, s10, $0xb8;
	[tilespmem:$0x2D00] =	vst v63  }
0x47: {  	_ =	swait.ge [sflag:s8], $0x80  }
0x48: {  	s15 =	simm.s32 $0x200;
	[sflag:s8] =	ssyncset.done $0x0  }
.LBB2_2:
0x49: {  	s16 =	sshra.s32 s15, $0x2;
	[sflag:s8] =	ssyncadd.s32 $0xFFFFFF80;
	p0 =	sne.s32 s15, $0x9C00  }
0x4a: {  	[spmem:s2] =	stream.indirect.scatter.add.f32 [tilespmem:s11], [sflag:$0x1], $0x1, s16, s10, $0xb8;
	[tilespmem:$0x2D00] =	vst v63  }
.Ltmp0:
0x4b: {  	_ = 	snop;
	(pc) =	sbr.rel @p0 .LBB2_2-.Ltmp0, $4  }
0x4c: {  	_ = 	snop  }
0x4d: {  	s15 =	sadd.s32 $0x200, s15  }
0x4e: {  	_ =	swait.ge [sflag:s8], $0x80  }
0x4f: {  	[sflag:s8] =	ssyncset.done $0x0  }
0x50: {  	s14 =	sadd.s32 $0x1, s14  }
0x51: {  	[sflag:s8] =	ssyncadd.s32 $0xFFFFFF80;
	p0 =	sne.s32 s14, s7  }
.Ltmp1:
0x52: {  	[bflag:$0x0] =	sbarrier.arrive $0xFFFF;
	(pc) =	sbr.rel @p0 .LBB2_1-.Ltmp1, $4  }
0x53: {  	[hbm:s6], [sflag:s12] =	dma.local [spmem:s13], $0x50  }
0x54: {  	_ =	swait.ge [sflag:s8], $0x50  }
0x55: {  	[sflag:s8] =	ssyncset.done $0x0  }
0x56: {  	[sflag:s8] =	ssyncadd.s32 $0xFFFFFFB0  }
0x57: {  	_ =	sfence.sel $0x180000  }
0x58: {  	[bflag:$0x0] =	sbarrier.arrive $0xFFFF  }
0x59: {  	p0 =	sne.s32 s1, $0x0;
	_ =	strace $0x90000047  }
0x5a: {  	s0 =	sadd.s32 @!p0 $0x100000, s0;
	[bflag:$0x2] =	sbarrier.arrive $0xFFFF  }
0x5b: {  	[sflag:s0] =	ssyncadd.tile.s32 @!p0 $0x1;
	_ =	shalt  }
.Lfunc_end2:
_tile_overlayer_lowered:
.L_overlay_start_2:
0x5c: {  	(tag) =	ssettag $0x2  }
0x5d: {  	s0 =	rddreg [dreg:$0x0];
	s2 =	stileid.u32  }
0x5e: {  	s1 =	rddreg [dreg:$0x1];
	p0 =	sne.s32 s2, $0x0  }
0x5f: {  	s3 =	rddreg [dreg:$0x2];
	[bflag:$0x3] =	sbarrier.arrive $0xFFFF;
	s2 =	simm.s32 @!p0 $0x1C01  }
0x60: {  	[timem:s3], [sflag:s2] =	dma.local @!p0 [hbm:s0], s1  }
0x61: {  	s0 =	simm.s32 @!p0 $0x1  }
0x62: {  	_ =	swait.ge @!p0 [sflag:s0], s1  }
0x63: {  	s1 =	ssub.s32 @!p0 $0x0, s1;
	[sflag:s0] =	ssyncset.done @!p0 $0x0  }
0x64: {  	[sflag:s0] =	ssyncadd.s32 @!p0 s1  }
0x65: {  	[bflag:$0x3] =	sbarrier.arrive $0xFFFF  }
0x66: {  	_ =	shalt  }

</sc_bundles>
